<compile_context>
chip_gen: v7x
topology: tpu7x:2x2x1
jax: 0.10.2.dev20260603
libtpu: 0.0.44.dev20260713+nightly
codegen_flags: <defaults>
</compile_context>

<pallas_src>
import jax
import jax.numpy as jnp
from jax import lax
from jax.experimental import pallas as pl
from jax.experimental.pallas import tpu as pltpu
from jax.experimental.pallas import tpu_sc as plsc

N = 10000
E = 320000
D = 128

NC = 2
NS = 16
NW = NC * NS
EPW = E // NW
K = 80
NCHUNK = EPW // K
GRP = K // 16

_mesh = plsc.VectorSubcoreMesh(
    core_axis_name="c", subcore_axis_name="s", num_cores=NC, num_subcores=NS
)
_sc_params = pltpu.CompilerParams(needs_layout_passes=False)


def _sc_deg_body(dst3, ew3, zeros_hbm, degp_hbm, dsts_v, ew_v, sem, deg_sh):
    c = lax.axis_index("c")
    s = lax.axis_index("s")
    wid = s * NC + c

    @pl.when(s == 0)
    def _init():
        pltpu.sync_copy(zeros_hbm, deg_sh)

    pltpu.sync_copy(dst3.at[wid], dsts_v)
    pltpu.sync_copy(ew3.at[wid], ew_v)
    plsc.subcore_barrier()

    @pl.loop(0, NCHUNK)
    def _fire(ci):
        pltpu.async_copy(ew_v.at[ci], deg_sh.at[dsts_v.at[ci]], sem, add=True)

    @pl.loop(0, NCHUNK)
    def _drain(ci):
        pltpu.make_async_copy(ew_v.at[ci], deg_sh.at[dsts_v.at[ci]], sem).wait()

    plsc.subcore_barrier()

    @pl.when(s == 0)
    def _flush():
        pltpu.sync_copy(deg_sh, degp_hbm.at[c])


_sc_deg = pl.kernel(
    _sc_deg_body,
    out_type=jax.ShapeDtypeStruct((NC, N), jnp.float32),
    mesh=_mesh,
    scratch_types=[
        pltpu.VMEM((NCHUNK, K), jnp.int32),
        pltpu.VMEM((NCHUNK, K), jnp.float32),
        pltpu.SemaphoreType.DMA,
        pltpu.VMEM_SHARED((N,), jnp.float32),
    ],
    compiler_params=_sc_params,
)


KE = 100
NCHUNK_E = EPW // KE
NPAIR = NCHUNK_E // 2


def _sc_edge_body(g_hbm, src3, dst3, ew3, zeros_hbm, accp_hbm,
                  src0, src1, dst0, dst1, ew0, ew1,
                  rows0, rows1, srows_v, gsem0, gsem1, acc_sh):
    c = lax.axis_index("c")
    s = lax.axis_index("s")
    wid = s * NC + c

    @pl.when(s == 0)
    def _init():
        pltpu.sync_copy(zeros_hbm, acc_sh)

    plsc.subcore_barrier()

    def _load_idx(ci, src_b, dst_b, ew_b):
        pltpu.sync_copy(src3.at[wid].at[ci], src_b)
        pltpu.sync_copy(dst3.at[wid].at[ci], dst_b)
        pltpu.sync_copy(ew3.at[wid].at[ci], ew_b)

    def _fire_gather(src_b, rows, gsem):
        pltpu.async_copy(g_hbm.at[src_b], rows, gsem)

    def _wait_gather(src_b, rows, gsem):
        pltpu.make_async_copy(g_hbm.at[src_b], rows, gsem).wait()

    def _half(pi, c_i, src_b, dst_b, ew_b, rows, gsem):
        _wait_gather(src_b, rows, gsem)

        @pl.loop(0, KE)
        def _edge(e):
            w16 = plsc.load_gather(ew_b, [jnp.full((16,), e, jnp.int32)])
            for p in range(D // 16):
                srows_v[e, pl.ds(p * 16, 16)] = (
                    rows[e, pl.ds(p * 16, 16)] * w16)

        pltpu.sync_copy(srows_v, acc_sh.at[dst_b], add=True)

        @pl.when(pi < NPAIR - 1)
        def _():
            _load_idx(c_i + 2, src_b, dst_b, ew_b)
            _fire_gather(src_b, rows, gsem)

    _load_idx(0, src0, dst0, ew0)
    _fire_gather(src0, rows0, gsem0)
    _load_idx(1, src1, dst1, ew1)
    _fire_gather(src1, rows1, gsem1)

    @pl.loop(0, NPAIR)
    def _pair(pi):
        c0 = 2 * pi
        _half(pi, c0, src0, dst0, ew0, rows0, gsem0)
        _half(pi, c0 + 1, src1, dst1, ew1, rows1, gsem1)

    plsc.subcore_barrier()

    @pl.when(s == 0)
    def _flush():
        pltpu.sync_copy(acc_sh, accp_hbm.at[c])


_sc_edge = pl.kernel(
    _sc_edge_body,
    out_type=jax.ShapeDtypeStruct((NC, N, D), jnp.float32),
    mesh=_mesh,
    scratch_types=[
        pltpu.VMEM((KE,), jnp.int32),
        pltpu.VMEM((KE,), jnp.int32),
        pltpu.VMEM((KE,), jnp.int32),
        pltpu.VMEM((KE,), jnp.int32),
        pltpu.VMEM((KE,), jnp.float32),
        pltpu.VMEM((KE,), jnp.float32),
        pltpu.VMEM((KE, D), jnp.float32),
        pltpu.VMEM((KE, D), jnp.float32),
        pltpu.VMEM((KE, D), jnp.float32),
        pltpu.SemaphoreType.DMA,
        pltpu.SemaphoreType.DMA,
        pltpu.VMEM_SHARED((N, D), jnp.float32),
    ],
    compiler_params=_sc_params,
)

BR = 512


def _tc_lin_body(x_ref, w_ref, degp_ref, g_ref):
    deg = degp_ref[0, :] + degp_ref[1, :] + 2.0
    dis = lax.rsqrt(deg)
    h = jnp.dot(x_ref[...], w_ref[...], preferred_element_type=jnp.float32)
    g_ref[...] = h * dis[:, None]


def _tc_lin(x, w, degp):
    return pl.pallas_call(
        _tc_lin_body,
        grid=(pl.cdiv(N, BR),),
        in_specs=[
            pl.BlockSpec((BR, D), lambda i: (i, 0)),
            pl.BlockSpec((D, D), lambda i: (0, 0)),
            pl.BlockSpec((2, BR), lambda i: (0, i)),
        ],
        out_specs=pl.BlockSpec((BR, D), lambda i: (i, 0)),
        out_shape=jax.ShapeDtypeStruct((N, D), jnp.float32),
    )(x, w, degp)


def _tc_comb_body(accp_ref, g_ref, degp_ref, b_ref, o_ref):
    deg = degp_ref[0, :] + degp_ref[1, :] + 2.0
    dis = lax.rsqrt(deg)
    t = accp_ref[0] + accp_ref[1] + 2.0 * g_ref[...]
    o_ref[...] = t * dis[:, None] + b_ref[...]


def _tc_comb(accp, g, degp, b2):
    return pl.pallas_call(
        _tc_comb_body,
        grid=(pl.cdiv(N, BR),),
        in_specs=[
            pl.BlockSpec((2, BR, D), lambda i: (0, i, 0)),
            pl.BlockSpec((BR, D), lambda i: (i, 0)),
            pl.BlockSpec((2, BR), lambda i: (0, i)),
            pl.BlockSpec((1, D), lambda i: (0, 0)),
        ],
        out_specs=pl.BlockSpec((BR, D), lambda i: (i, 0)),
        out_shape=jax.ShapeDtypeStruct((N, D), jnp.float32),
    )(accp, g, degp, b2)


@jax.jit
def kernel(x, edge_index, edge_weight, W, b):
    src_i = edge_index[0].astype(jnp.int32)
    dst_i = edge_index[1].astype(jnp.int32)
    ew_f = edge_weight.astype(jnp.float32)
    zeros1 = jnp.zeros((N,), jnp.float32)
    zeros2 = jnp.zeros((N, D), jnp.float32)
    degp = _sc_deg(dst_i.reshape(NW, NCHUNK, K), ew_f.reshape(NW, NCHUNK, K),
                   zeros1)
    g = _tc_lin(x, W, degp)
    accp = _sc_edge(g, src_i.reshape(NW, NCHUNK_E, KE),
                    dst_i.reshape(NW, NCHUNK_E, KE),
                    ew_f.reshape(NW, NCHUNK_E, KE), zeros2)
    return _tc_comb(accp, g, degp, b.reshape(1, D))

# --- scband reference (transcript-rebuilt; emitter-appended) ---
"""Pipeline reference for scband-conv-layer-6219112644994 (READ-ONLY COPY).

The authoritative reference and input builder live on the scoring server;
editing this copy changes nothing except your own understanding.
"""

import jax, jax.numpy as jnp
import numpy as np

N_NODES = 10000
N_EDGES = 320000
D_IN = 128
D_OUT = 128

def setup_inputs(seed: int = 0) -> dict:
    key = jax.random.key(seed)
    k1, k2, k3, k4, k5 = jax.random.split(key, 5)
    x = jax.random.normal(k1, (N_NODES, D_IN), dtype=jnp.float32)
    edge_index = jax.random.randint(k2, (2, N_EDGES), 0, N_NODES, dtype=jnp.int64)
    edge_weight = jax.random.uniform(k3, (N_EDGES,), dtype=jnp.float32)
    # GCNConv linear layer (no bias inside lin; bias added after propagation)
    bound = 1.0 / np.sqrt(D_IN)
    W = jax.random.uniform(k4, (D_IN, D_OUT), minval=-bound, maxval=bound, dtype=jnp.float32)
    b = jax.random.uniform(k5, (D_OUT,), minval=-bound, maxval=bound, dtype=jnp.float32)
    return {"x": x, "edge_index": edge_index, "edge_weight": edge_weight, "W": W, "b": b}

def reference(x, edge_index, edge_weight, W, b):
    # GCNConv with improved=True (self-loop weight 2.0), add_self_loops=True, normalize=True
    N = x.shape[0]
    src = edge_index[0]
    dst = edge_index[1]
    loop = jnp.arange(N, dtype=src.dtype)
    src_full = jnp.concatenate([src, loop])
    dst_full = jnp.concatenate([dst, loop])
    ew_full = jnp.concatenate([edge_weight, jnp.full((N,), 2.0, dtype=edge_weight.dtype)])
    # symmetric normalization: deg computed over destination (col)
    deg = jnp.zeros((N,), dtype=ew_full.dtype).at[dst_full].add(ew_full)
    deg_inv_sqrt = jnp.where(deg > 0, 1.0 / jnp.sqrt(deg), 0.0)
    norm = deg_inv_sqrt[src_full] * ew_full * deg_inv_sqrt[dst_full]
    h = x @ W  # linear transform (no bias)
    msgs = norm[:, None] * jnp.take(h, src_full, axis=0)  # gather + scale
    out = jnp.zeros((N, h.shape[1]), dtype=h.dtype).at[dst_full].add(msgs)  # scatter-add
    out = out + b
    return out

if __name__ == "__main__":
    import jax
    _d = setup_inputs()
    print(jax.jit(kernel)(*tuple(_d.values())))

</pallas_src>

<mosaic_0001>
#map = affine_map<(d0, d1) -> (0, 0, 0)>
#map1 = affine_map<(d0, d1) -> (0)>
#map2 = affine_map<(d0, d1) -> (0, 0)>
module attributes {stable_mosaic.version = 14 : i64} {
  func.func @_sc_deg_body(%arg0: i32, %arg1: i32, %arg2: memref<32x125x80xi32, #tpu.memory_space<hbm>>, %arg3: memref<32x125x80xf32, #tpu.memory_space<hbm>>, %arg4: memref<10000xf32, #tpu.memory_space<hbm>>, %arg5: memref<2x10000xf32, #tpu.memory_space<hbm>>, %arg6: memref<125x80xi32, #tpu.memory_space<vmem>>, %arg7: memref<125x80xf32, #tpu.memory_space<vmem>>, %arg8: memref<!tpu.dma_semaphore, #tpu.memory_space<semaphore_mem>>, %arg9: memref<10000xf32, #tpu.memory_space<vmem_shared>>) attributes {dimension_semantics = [#tpu.dimension_semantics<core_parallel>, #tpu.dimension_semantics<subcore_parallel>], iteration_bounds = array<i64: 2, 16>, scalar_prefetch = 0 : i64, scratch_operands = 4 : i64, tpu.core_type = #tpu.core_type<sc_vector_subcore>, window_params = [{transform_indices = #map}, {transform_indices = #map}, {transform_indices = #map1}, {transform_indices = #map2}]} {
    %mul3A = arith.constant 2 : i32
    %mul3A_0 = arith.muli %arg1, %mul3A : i32
    %add3A = arith.addi %mul3A_0, %arg0 : i32
    %eq3A = arith.constant 0 : i32
    %eq3A_1 = arith.cmpi eq, %arg1, %eq3A : i32
    %convert_element_type3A = arith.extui %eq3A_1 : i1 to i32
    %cond3A = arith.constant 0 : i32
    %cond3A_2 = arith.cmpi ne, %convert_element_type3A, %cond3A : i32
    scf.if %cond3A_2 {
      "tpu.region"() ({
        %run_scoped3A = tpu.sem_alloc : memref<!tpu.dma_semaphore, #tpu.memory_space<semaphore_mem>>
        tpu.enqueue_dma source(%arg4 : memref<10000xf32, #tpu.memory_space<hbm>>) target(%arg9 : memref<10000xf32, #tpu.memory_space<vmem_shared>>) target_semaphore(%run_scoped3A : memref<!tpu.dma_semaphore, #tpu.memory_space<semaphore_mem>>)
        tpu.wait_dma2 semaphore(%run_scoped3A : memref<!tpu.dma_semaphore, #tpu.memory_space<semaphore_mem>>) src(%arg4 : memref<10000xf32, #tpu.memory_space<hbm>>) dst(%arg9 : memref<10000xf32, #tpu.memory_space<vmem_shared>>)
        tpu.yield
      }) : () -> ()
    } else {
    }
    "tpu.region"() ({
      %run_scoped3A = tpu.sem_alloc : memref<!tpu.dma_semaphore, #tpu.memory_space<semaphore_mem>>
      %dma_start3A = arith.constant 0 : i32
      %dma_start3A_18 = arith.constant 0 : i32
      %dma_start3A_19 = tpu.memref_slice %arg2[%add3A, %dma_start3A, %dma_start3A_18] : memref<32x125x80xi32, #tpu.memory_space<hbm>> -> memref<1x125x80xi32, #tpu.memory_space<hbm>>
      %dma_start3A_20 = tpu.memref_squeeze %dma_start3A_19 : memref<1x125x80xi32, #tpu.memory_space<hbm>> -> memref<125x80xi32, #tpu.memory_space<hbm>>
      %dma_start3A_21 = arith.constant 0 : i32
      %dma_start3A_22 = arith.constant 0 : i32
      %dma_start3A_23 = tpu.memref_slice %arg2[%add3A, %dma_start3A_21, %dma_start3A_22] : memref<32x125x80xi32, #tpu.memory_space<hbm>> -> memref<1x125x80xi32, #tpu.memory_space<hbm>>
      %dma_start3A_24 = tpu.memref_squeeze %dma_start3A_23 : memref<1x125x80xi32, #tpu.memory_space<hbm>> -> memref<125x80xi32, #tpu.memory_space<hbm>>
      tpu.enqueue_dma source(%dma_start3A_24 : memref<125x80xi32, #tpu.memory_space<hbm>>) target(%arg6 : memref<125x80xi32, #tpu.memory_space<vmem>>) target_semaphore(%run_scoped3A : memref<!tpu.dma_semaphore, #tpu.memory_space<semaphore_mem>>)
      %dma_wait3A = arith.constant 0 : i32
      %dma_wait3A_25 = arith.constant 0 : i32
      %dma_wait3A_26 = tpu.memref_slice %arg2[%add3A, %dma_wait3A, %dma_wait3A_25] : memref<32x125x80xi32, #tpu.memory_space<hbm>> -> memref<1x125x80xi32, #tpu.memory_space<hbm>>
      %dma_wait3A_27 = tpu.memref_squeeze %dma_wait3A_26 : memref<1x125x80xi32, #tpu.memory_space<hbm>> -> memref<125x80xi32, #tpu.memory_space<hbm>>
      %dma_wait3A_28 = arith.constant 0 : i32
      %dma_wait3A_29 = arith.constant 0 : i32
      %dma_wait3A_30 = tpu.memref_slice %arg2[%add3A, %dma_wait3A_28, %dma_wait3A_29] : memref<32x125x80xi32, #tpu.memory_space<hbm>> -> memref<1x125x80xi32, #tpu.memory_space<hbm>>
      %dma_wait3A_31 = tpu.memref_squeeze %dma_wait3A_30 : memref<1x125x80xi32, #tpu.memory_space<hbm>> -> memref<125x80xi32, #tpu.memory_space<hbm>>
      tpu.wait_dma2 semaphore(%run_scoped3A : memref<!tpu.dma_semaphore, #tpu.memory_space<semaphore_mem>>) src(%dma_wait3A_31 : memref<125x80xi32, #tpu.memory_space<hbm>>) dst(%arg6 : memref<125x80xi32, #tpu.memory_space<vmem>>)
      tpu.yield
    }) : () -> ()
    "tpu.region"() ({
      %run_scoped3A = tpu.sem_alloc : memref<!tpu.dma_semaphore, #tpu.memory_space<semaphore_mem>>
      %dma_start3A = arith.constant 0 : i32
      %dma_start3A_18 = arith.constant 0 : i32
      %dma_start3A_19 = tpu.memref_slice %arg3[%add3A, %dma_start3A, %dma_start3A_18] : memref<32x125x80xf32, #tpu.memory_space<hbm>> -> memref<1x125x80xf32, #tpu.memory_space<hbm>>
      %dma_start3A_20 = tpu.memref_squeeze %dma_start3A_19 : memref<1x125x80xf32, #tpu.memory_space<hbm>> -> memref<125x80xf32, #tpu.memory_space<hbm>>
      %dma_start3A_21 = arith.constant 0 : i32
      %dma_start3A_22 = arith.constant 0 : i32
      %dma_start3A_23 = tpu.memref_slice %arg3[%add3A, %dma_start3A_21, %dma_start3A_22] : memref<32x125x80xf32, #tpu.memory_space<hbm>> -> memref<1x125x80xf32, #tpu.memory_space<hbm>>
      %dma_start3A_24 = tpu.memref_squeeze %dma_start3A_23 : memref<1x125x80xf32, #tpu.memory_space<hbm>> -> memref<125x80xf32, #tpu.memory_space<hbm>>
      tpu.enqueue_dma source(%dma_start3A_24 : memref<125x80xf32, #tpu.memory_space<hbm>>) target(%arg7 : memref<125x80xf32, #tpu.memory_space<vmem>>) target_semaphore(%run_scoped3A : memref<!tpu.dma_semaphore, #tpu.memory_space<semaphore_mem>>)
      %dma_wait3A = arith.constant 0 : i32
      %dma_wait3A_25 = arith.constant 0 : i32
      %dma_wait3A_26 = tpu.memref_slice %arg3[%add3A, %dma_wait3A, %dma_wait3A_25] : memref<32x125x80xf32, #tpu.memory_space<hbm>> -> memref<1x125x80xf32, #tpu.memory_space<hbm>>
      %dma_wait3A_27 = tpu.memref_squeeze %dma_wait3A_26 : memref<1x125x80xf32, #tpu.memory_space<hbm>> -> memref<125x80xf32, #tpu.memory_space<hbm>>
      %dma_wait3A_28 = arith.constant 0 : i32
      %dma_wait3A_29 = arith.constant 0 : i32
      %dma_wait3A_30 = tpu.memref_slice %arg3[%add3A, %dma_wait3A_28, %dma_wait3A_29] : memref<32x125x80xf32, #tpu.memory_space<hbm>> -> memref<1x125x80xf32, #tpu.memory_space<hbm>>
      %dma_wait3A_31 = tpu.memref_squeeze %dma_wait3A_30 : memref<1x125x80xf32, #tpu.memory_space<hbm>> -> memref<125x80xf32, #tpu.memory_space<hbm>>
      tpu.wait_dma2 semaphore(%run_scoped3A : memref<!tpu.dma_semaphore, #tpu.memory_space<semaphore_mem>>) src(%dma_wait3A_31 : memref<125x80xf32, #tpu.memory_space<hbm>>) dst(%arg7 : memref<125x80xf32, #tpu.memory_space<vmem>>)
      tpu.yield
    }) : () -> ()
    %barrier3A = arith.constant 0 : index
    tpu.barrier barrier_id(%barrier3A)
    %scan3A = arith.constant 0 : i32
    %scan3A_3 = arith.constant 125 : i32
    %scan3A_4 = arith.addi %scan3A, %scan3A_3 : i32
    %scan3A_5 = arith.constant 1 : i32
    scf.for %scan3A_18 = %scan3A to %scan3A_4 step %scan3A_5  : i32 {
      %mul3A_19 = arith.constant 1 : i32
      %mul3A_20 = arith.muli %scan3A_18, %mul3A_19 : i32
      %add3A_21 = arith.constant 0 : i32
      %add3A_22 = arith.addi %add3A_21, %mul3A_20 : i32
      %dma_start3A = arith.constant 0 : i32
      %dma_start3A_23 = tpu.memref_slice %arg7[%add3A_22, %dma_start3A] : memref<125x80xf32, #tpu.memory_space<vmem>> -> memref<1x80xf32, #tpu.memory_space<vmem>>
      %dma_start3A_24 = tpu.memref_squeeze %dma_start3A_23 : memref<1x80xf32, #tpu.memory_space<vmem>> -> memref<80xf32, #tpu.memory_space<vmem>>
      %dma_start3A_25 = arith.constant 0 : i32
      %dma_start3A_26 = tpu.memref_slice %arg6[%add3A_22, %dma_start3A_25] : memref<125x80xi32, #tpu.memory_space<vmem>> -> memref<1x80xi32, #tpu.memory_space<vmem>>
      %dma_start3A_27 = tpu.memref_squeeze %dma_start3A_26 : memref<1x80xi32, #tpu.memory_space<vmem>> -> memref<80xi32, #tpu.memory_space<vmem>>
      %dma_start3A_28 = arith.constant 0 : i32
      %dma_start3A_29 = tpu.memref_slice %arg9[%dma_start3A_28] : memref<10000xf32, #tpu.memory_space<vmem_shared>> -> memref<10000xf32, #tpu.memory_space<vmem_shared>>
      tpu.enqueue_indirect_dma source(%dma_start3A_24 : memref<80xf32, #tpu.memory_space<vmem>>) target(%dma_start3A_29 : memref<10000xf32, #tpu.memory_space<vmem_shared>>) offsets(%dma_start3A_27 : memref<80xi32, #tpu.memory_space<vmem>>) semaphore(%arg8 : memref<!tpu.dma_semaphore, #tpu.memory_space<semaphore_mem>>) {add = true}
    }
    %scan3A_6 = arith.constant 125 : i32
    %scan3A_7 = arith.constant 0 : i32
    %scan3A_8 = arith.constant 125 : i32
    %scan3A_9 = arith.addi %scan3A_7, %scan3A_8 : i32
    %scan3A_10 = arith.constant 1 : i32
    scf.for %scan3A_18 = %scan3A_7 to %scan3A_9 step %scan3A_10  : i32 {
      %mul3A_19 = arith.constant 1 : i32
      %mul3A_20 = arith.muli %scan3A_18, %mul3A_19 : i32
      %add3A_21 = arith.constant 0 : i32
      %add3A_22 = arith.addi %add3A_21, %mul3A_20 : i32
      %dma_wait3A = arith.constant 0 : i32
      %dma_wait3A_23 = tpu.memref_slice %arg7[%add3A_22, %dma_wait3A] : memref<125x80xf32, #tpu.memory_space<vmem>> -> memref<1x80xf32, #tpu.memory_space<vmem>>
      %dma_wait3A_24 = tpu.memref_squeeze %dma_wait3A_23 : memref<1x80xf32, #tpu.memory_space<vmem>> -> memref<80xf32, #tpu.memory_space<vmem>>
      %dma_wait3A_25 = arith.constant 0 : i32
      %dma_wait3A_26 = tpu.memref_slice %arg6[%add3A_22, %dma_wait3A_25] : memref<125x80xi32, #tpu.memory_space<vmem>> -> memref<1x80xi32, #tpu.memory_space<vmem>>
      %dma_wait3A_27 = tpu.memref_squeeze %dma_wait3A_26 : memref<1x80xi32, #tpu.memory_space<vmem>> -> memref<80xi32, #tpu.memory_space<vmem>>
      %dma_wait3A_28 = arith.constant 0 : i32
      %dma_wait3A_29 = tpu.memref_slice %arg9[%dma_wait3A_28] : memref<10000xf32, #tpu.memory_space<vmem_shared>> -> memref<10000xf32, #tpu.memory_space<vmem_shared>>
      tpu.wait_indirect_dma semaphore(%arg8 : memref<!tpu.dma_semaphore, #tpu.memory_space<semaphore_mem>>) src(%dma_wait3A_24 : memref<80xf32, #tpu.memory_space<vmem>>) dst(%dma_wait3A_29 : memref<10000xf32, #tpu.memory_space<vmem_shared>>)
    }
    %scan3A_11 = arith.constant 125 : i32
    %barrier3A_12 = arith.constant 0 : index
    tpu.barrier barrier_id(%barrier3A_12)
    %eq3A_13 = arith.constant 0 : i32
    %eq3A_14 = arith.cmpi eq, %arg1, %eq3A_13 : i32
    %convert_element_type3A_15 = arith.extui %eq3A_14 : i1 to i32
    %cond3A_16 = arith.constant 0 : i32
    %cond3A_17 = arith.cmpi ne, %convert_element_type3A_15, %cond3A_16 : i32
    scf.if %cond3A_17 {
      "tpu.region"() ({
        %run_scoped3A = tpu.sem_alloc : memref<!tpu.dma_semaphore, #tpu.memory_space<semaphore_mem>>
        %dma_start3A = arith.constant 0 : i32
        %dma_start3A_18 = tpu.memref_slice %arg5[%arg0, %dma_start3A] : memref<2x10000xf32, #tpu.memory_space<hbm>> -> memref<1x10000xf32, #tpu.memory_space<hbm>>
        %dma_start3A_19 = tpu.memref_squeeze %dma_start3A_18 : memref<1x10000xf32, #tpu.memory_space<hbm>> -> memref<10000xf32, #tpu.memory_space<hbm>>
        tpu.enqueue_dma source(%arg9 : memref<10000xf32, #tpu.memory_space<vmem_shared>>) target(%dma_start3A_19 : memref<10000xf32, #tpu.memory_space<hbm>>) target_semaphore(%run_scoped3A : memref<!tpu.dma_semaphore, #tpu.memory_space<semaphore_mem>>)
        %dma_wait3A = arith.constant 0 : i32
        %dma_wait3A_20 = tpu.memref_slice %arg5[%arg0, %dma_wait3A] : memref<2x10000xf32, #tpu.memory_space<hbm>> -> memref<1x10000xf32, #tpu.memory_space<hbm>>
        %dma_wait3A_21 = tpu.memref_squeeze %dma_wait3A_20 : memref<1x10000xf32, #tpu.memory_space<hbm>> -> memref<10000xf32, #tpu.memory_space<hbm>>
        tpu.wait_dma2 semaphore(%run_scoped3A : memref<!tpu.dma_semaphore, #tpu.memory_space<semaphore_mem>>) src(%arg9 : memref<10000xf32, #tpu.memory_space<vmem_shared>>) dst(%dma_wait3A_21 : memref<10000xf32, #tpu.memory_space<hbm>>)
        tpu.yield
      }) : () -> ()
    } else {
    }
    return
  }
}

#map = affine_map<(d0, d1) -> (0, 0)>
#map1 = affine_map<(d0, d1) -> (0, 0, 0)>
module attributes {stable_mosaic.version = 14 : i64} {
  func.func @_sc_edge_body(%arg0: i32, %arg1: i32, %arg2: memref<10000x128xf32, #tpu.memory_space<hbm>>, %arg3: memref<32x100x100xi32, #tpu.memory_space<hbm>>, %arg4: memref<32x100x100xi32, #tpu.memory_space<hbm>>, %arg5: memref<32x100x100xf32, #tpu.memory_space<hbm>>, %arg6: memref<10000x128xf32, #tpu.memory_space<hbm>>, %arg7: memref<2x10000x128xf32, #tpu.memory_space<hbm>>, %arg8: memref<100xi32, #tpu.memory_space<vmem>>, %arg9: memref<100xi32, #tpu.memory_space<vmem>>, %arg10: memref<100xi32, #tpu.memory_space<vmem>>, %arg11: memref<100xi32, #tpu.memory_space<vmem>>, %arg12: memref<100xf32, #tpu.memory_space<vmem>>, %arg13: memref<100xf32, #tpu.memory_space<vmem>>, %arg14: memref<100x128xf32, #tpu.memory_space<vmem>>, %arg15: memref<100x128xf32, #tpu.memory_space<vmem>>, %arg16: memref<100x128xf32, #tpu.memory_space<vmem>>, %arg17: memref<!tpu.dma_semaphore, #tpu.memory_space<semaphore_mem>>, %arg18: memref<!tpu.dma_semaphore, #tpu.memory_space<semaphore_mem>>, %arg19: memref<10000x128xf32, #tpu.memory_space<vmem_shared>>) attributes {dimension_semantics = [#tpu.dimension_semantics<core_parallel>, #tpu.dimension_semantics<subcore_parallel>], iteration_bounds = array<i64: 2, 16>, scalar_prefetch = 0 : i64, scratch_operands = 12 : i64, tpu.core_type = #tpu.core_type<sc_vector_subcore>, window_params = [{transform_indices = #map}, {transform_indices = #map1}, {transform_indices = #map1}, {transform_indices = #map1}, {transform_indices = #map}, {transform_indices = #map1}]} {
    %mul3A = arith.constant 2 : i32
    %mul3A_0 = arith.muli %arg1, %mul3A : i32
    %add3A = arith.addi %mul3A_0, %arg0 : i32
    %eq3A = arith.constant 0 : i32
    %eq3A_1 = arith.cmpi eq, %arg1, %eq3A : i32
    %convert_element_type3A = arith.extui %eq3A_1 : i1 to i32
    %cond3A = arith.constant 0 : i32
    %cond3A_2 = arith.cmpi ne, %convert_element_type3A, %cond3A : i32
    scf.if %cond3A_2 {
      "tpu.region"() ({
        %run_scoped3A_23 = tpu.sem_alloc : memref<!tpu.dma_semaphore, #tpu.memory_space<semaphore_mem>>
        tpu.enqueue_dma source(%arg6 : memref<10000x128xf32, #tpu.memory_space<hbm>>) target(%arg19 : memref<10000x128xf32, #tpu.memory_space<vmem_shared>>) target_semaphore(%run_scoped3A_23 : memref<!tpu.dma_semaphore, #tpu.memory_space<semaphore_mem>>)
        tpu.wait_dma2 semaphore(%run_scoped3A_23 : memref<!tpu.dma_semaphore, #tpu.memory_space<semaphore_mem>>) src(%arg6 : memref<10000x128xf32, #tpu.memory_space<hbm>>) dst(%arg19 : memref<10000x128xf32, #tpu.memory_space<vmem_shared>>)
        tpu.yield
      }) : () -> ()
    } else {
    }
    %barrier3A = arith.constant 0 : index
    tpu.barrier barrier_id(%barrier3A)
    %run_scoped3A = arith.constant 0 : i32
    "tpu.region"() ({
      %run_scoped3A_23 = tpu.sem_alloc : memref<!tpu.dma_semaphore, #tpu.memory_space<semaphore_mem>>
      %dma_start3A_24 = arith.constant 0 : i32
      %dma_start3A_25 = arith.constant 0 : i32
      %dma_start3A_26 = tpu.memref_slice %arg3[%add3A, %dma_start3A_24, %dma_start3A_25] : memref<32x100x100xi32, #tpu.memory_space<hbm>> -> memref<1x100x100xi32, #tpu.memory_space<hbm>>
      %dma_start3A_27 = tpu.memref_squeeze %dma_start3A_26 : memref<1x100x100xi32, #tpu.memory_space<hbm>> -> memref<100x100xi32, #tpu.memory_space<hbm>>
      %dma_start3A_28 = arith.constant 0 : i32
      %dma_start3A_29 = tpu.memref_slice %dma_start3A_27[%run_scoped3A, %dma_start3A_28] : memref<100x100xi32, #tpu.memory_space<hbm>> -> memref<1x100xi32, #tpu.memory_space<hbm>>
      %dma_start3A_30 = tpu.memref_squeeze %dma_start3A_29 : memref<1x100xi32, #tpu.memory_space<hbm>> -> memref<100xi32, #tpu.memory_space<hbm>>
      %dma_start3A_31 = arith.constant 0 : i32
      %dma_start3A_32 = arith.constant 0 : i32
      %dma_start3A_33 = tpu.memref_slice %arg3[%add3A, %dma_start3A_31, %dma_start3A_32] : memref<32x100x100xi32, #tpu.memory_space<hbm>> -> memref<1x100x100xi32, #tpu.memory_space<hbm>>
      %dma_start3A_34 = tpu.memref_squeeze %dma_start3A_33 : memref<1x100x100xi32, #tpu.memory_space<hbm>> -> memref<100x100xi32, #tpu.memory_space<hbm>>
      %dma_start3A_35 = arith.constant 0 : i32
      %dma_start3A_36 = tpu.memref_slice %dma_start3A_34[%run_scoped3A, %dma_start3A_35] : memref<100x100xi32, #tpu.memory_space<hbm>> -> memref<1x100xi32, #tpu.memory_space<hbm>>
      %dma_start3A_37 = tpu.memref_squeeze %dma_start3A_36 : memref<1x100xi32, #tpu.memory_space<hbm>> -> memref<100xi32, #tpu.memory_space<hbm>>
      tpu.enqueue_dma source(%dma_start3A_37 : memref<100xi32, #tpu.memory_space<hbm>>) target(%arg8 : memref<100xi32, #tpu.memory_space<vmem>>) target_semaphore(%run_scoped3A_23 : memref<!tpu.dma_semaphore, #tpu.memory_space<semaphore_mem>>)
      %dma_wait3A = arith.constant 0 : i32
      %dma_wait3A_38 = arith.constant 0 : i32
      %dma_wait3A_39 = tpu.memref_slice %arg3[%add3A, %dma_wait3A, %dma_wait3A_38] : memref<32x100x100xi32, #tpu.memory_space<hbm>> -> memref<1x100x100xi32, #tpu.memory_space<hbm>>
      %dma_wait3A_40 = tpu.memref_squeeze %dma_wait3A_39 : memref<1x100x100xi32, #tpu.memory_space<hbm>> -> memref<100x100xi32, #tpu.memory_space<hbm>>
      %dma_wait3A_41 = arith.constant 0 : i32
      %dma_wait3A_42 = tpu.memref_slice %dma_wait3A_40[%run_scoped3A, %dma_wait3A_41] : memref<100x100xi32, #tpu.memory_space<hbm>> -> memref<1x100xi32, #tpu.memory_space<hbm>>
      %dma_wait3A_43 = tpu.memref_squeeze %dma_wait3A_42 : memref<1x100xi32, #tpu.memory_space<hbm>> -> memref<100xi32, #tpu.memory_space<hbm>>
      %dma_wait3A_44 = arith.constant 0 : i32
      %dma_wait3A_45 = arith.constant 0 : i32
      %dma_wait3A_46 = tpu.memref_slice %arg3[%add3A, %dma_wait3A_44, %dma_wait3A_45] : memref<32x100x100xi32, #tpu.memory_space<hbm>> -> memref<1x100x100xi32, #tpu.memory_space<hbm>>
      %dma_wait3A_47 = tpu.memref_squeeze %dma_wait3A_46 : memref<1x100x100xi32, #tpu.memory_space<hbm>> -> memref<100x100xi32, #tpu.memory_space<hbm>>
      %dma_wait3A_48 = arith.constant 0 : i32
      %dma_wait3A_49 = tpu.memref_slice %dma_wait3A_47[%run_scoped3A, %dma_wait3A_48] : memref<100x100xi32, #tpu.memory_space<hbm>> -> memref<1x100xi32, #tpu.memory_space<hbm>>
      %dma_wait3A_50 = tpu.memref_squeeze %dma_wait3A_49 : memref<1x100xi32, #tpu.memory_space<hbm>> -> memref<100xi32, #tpu.memory_space<hbm>>
      tpu.wait_dma2 semaphore(%run_scoped3A_23 : memref<!tpu.dma_semaphore, #tpu.memory_space<semaphore_mem>>) src(%dma_wait3A_50 : memref<100xi32, #tpu.memory_space<hbm>>) dst(%arg8 : memref<100xi32, #tpu.memory_space<vmem>>)
      tpu.yield
    }) : () -> ()
    %run_scoped3A_3 = arith.constant 0 : i32
    "tpu.region"() ({
      %run_scoped3A_23 = tpu.sem_alloc : memref<!tpu.dma_semaphore, #tpu.memory_space<semaphore_mem>>
      %dma_start3A_24 = arith.constant 0 : i32
      %dma_start3A_25 = arith.constant 0 : i32
      %dma_start3A_26 = tpu.memref_slice %arg4[%add3A, %dma_start3A_24, %dma_start3A_25] : memref<32x100x100xi32, #tpu.memory_space<hbm>> -> memref<1x100x100xi32, #tpu.memory_space<hbm>>
      %dma_start3A_27 = tpu.memref_squeeze %dma_start3A_26 : memref<1x100x100xi32, #tpu.memory_space<hbm>> -> memref<100x100xi32, #tpu.memory_space<hbm>>
      %dma_start3A_28 = arith.constant 0 : i32
      %dma_start3A_29 = tpu.memref_slice %dma_start3A_27[%run_scoped3A_3, %dma_start3A_28] : memref<100x100xi32, #tpu.memory_space<hbm>> -> memref<1x100xi32, #tpu.memory_space<hbm>>
      %dma_start3A_30 = tpu.memref_squeeze %dma_start3A_29 : memref<1x100xi32, #tpu.memory_space<hbm>> -> memref<100xi32, #tpu.memory_space<hbm>>
      %dma_start3A_31 = arith.constant 0 : i32
      %dma_start3A_32 = arith.constant 0 : i32
      %dma_start3A_33 = tpu.memref_slice %arg4[%add3A, %dma_start3A_31, %dma_start3A_32] : memref<32x100x100xi32, #tpu.memory_space<hbm>> -> memref<1x100x100xi32, #tpu.memory_space<hbm>>
      %dma_start3A_34 = tpu.memref_squeeze %dma_start3A_33 : memref<1x100x100xi32, #tpu.memory_space<hbm>> -> memref<100x100xi32, #tpu.memory_space<hbm>>
      %dma_start3A_35 = arith.constant 0 : i32
      %dma_start3A_36 = tpu.memref_slice %dma_start3A_34[%run_scoped3A_3, %dma_start3A_35] : memref<100x100xi32, #tpu.memory_space<hbm>> -> memref<1x100xi32, #tpu.memory_space<hbm>>
      %dma_start3A_37 = tpu.memref_squeeze %dma_start3A_36 : memref<1x100xi32, #tpu.memory_space<hbm>> -> memref<100xi32, #tpu.memory_space<hbm>>
      tpu.enqueue_dma source(%dma_start3A_37 : memref<100xi32, #tpu.memory_space<hbm>>) target(%arg10 : memref<100xi32, #tpu.memory_space<vmem>>) target_semaphore(%run_scoped3A_23 : memref<!tpu.dma_semaphore, #tpu.memory_space<semaphore_mem>>)
      %dma_wait3A = arith.constant 0 : i32
      %dma_wait3A_38 = arith.constant 0 : i32
      %dma_wait3A_39 = tpu.memref_slice %arg4[%add3A, %dma_wait3A, %dma_wait3A_38] : memref<32x100x100xi32, #tpu.memory_space<hbm>> -> memref<1x100x100xi32, #tpu.memory_space<hbm>>
      %dma_wait3A_40 = tpu.memref_squeeze %dma_wait3A_39 : memref<1x100x100xi32, #tpu.memory_space<hbm>> -> memref<100x100xi32, #tpu.memory_space<hbm>>
      %dma_wait3A_41 = arith.constant 0 : i32
      %dma_wait3A_42 = tpu.memref_slice %dma_wait3A_40[%run_scoped3A_3, %dma_wait3A_41] : memref<100x100xi32, #tpu.memory_space<hbm>> -> memref<1x100xi32, #tpu.memory_space<hbm>>
      %dma_wait3A_43 = tpu.memref_squeeze %dma_wait3A_42 : memref<1x100xi32, #tpu.memory_space<hbm>> -> memref<100xi32, #tpu.memory_space<hbm>>
      %dma_wait3A_44 = arith.constant 0 : i32
      %dma_wait3A_45 = arith.constant 0 : i32
      %dma_wait3A_46 = tpu.memref_slice %arg4[%add3A, %dma_wait3A_44, %dma_wait3A_45] : memref<32x100x100xi32, #tpu.memory_space<hbm>> -> memref<1x100x100xi32, #tpu.memory_space<hbm>>
      %dma_wait3A_47 = tpu.memref_squeeze %dma_wait3A_46 : memref<1x100x100xi32, #tpu.memory_space<hbm>> -> memref<100x100xi32, #tpu.memory_space<hbm>>
      %dma_wait3A_48 = arith.constant 0 : i32
      %dma_wait3A_49 = tpu.memref_slice %dma_wait3A_47[%run_scoped3A_3, %dma_wait3A_48] : memref<100x100xi32, #tpu.memory_space<hbm>> -> memref<1x100xi32, #tpu.memory_space<hbm>>
      %dma_wait3A_50 = tpu.memref_squeeze %dma_wait3A_49 : memref<1x100xi32, #tpu.memory_space<hbm>> -> memref<100xi32, #tpu.memory_space<hbm>>
      tpu.wait_dma2 semaphore(%run_scoped3A_23 : memref<!tpu.dma_semaphore, #tpu.memory_space<semaphore_mem>>) src(%dma_wait3A_50 : memref<100xi32, #tpu.memory_space<hbm>>) dst(%arg10 : memref<100xi32, #tpu.memory_space<vmem>>)
      tpu.yield
    }) : () -> ()
    %run_scoped3A_4 = arith.constant 0 : i32
    "tpu.region"() ({
      %run_scoped3A_23 = tpu.sem_alloc : memref<!tpu.dma_semaphore, #tpu.memory_space<semaphore_mem>>
      %dma_start3A_24 = arith.constant 0 : i32
      %dma_start3A_25 = arith.constant 0 : i32
      %dma_start3A_26 = tpu.memref_slice %arg5[%add3A, %dma_start3A_24, %dma_start3A_25] : memref<32x100x100xf32, #tpu.memory_space<hbm>> -> memref<1x100x100xf32, #tpu.memory_space<hbm>>
      %dma_start3A_27 = tpu.memref_squeeze %dma_start3A_26 : memref<1x100x100xf32, #tpu.memory_space<hbm>> -> memref<100x100xf32, #tpu.memory_space<hbm>>
      %dma_start3A_28 = arith.constant 0 : i32
      %dma_start3A_29 = tpu.memref_slice %dma_start3A_27[%run_scoped3A_4, %dma_start3A_28] : memref<100x100xf32, #tpu.memory_space<hbm>> -> memref<1x100xf32, #tpu.memory_space<hbm>>
      %dma_start3A_30 = tpu.memref_squeeze %dma_start3A_29 : memref<1x100xf32, #tpu.memory_space<hbm>> -> memref<100xf32, #tpu.memory_space<hbm>>
      %dma_start3A_31 = arith.constant 0 : i32
      %dma_start3A_32 = arith.constant 0 : i32
      %dma_start3A_33 = tpu.memref_slice %arg5[%add3A, %dma_start3A_31, %dma_start3A_32] : memref<32x100x100xf32, #tpu.memory_space<hbm>> -> memref<1x100x100xf32, #tpu.memory_space<hbm>>
      %dma_start3A_34 = tpu.memref_squeeze %dma_start3A_33 : memref<1x100x100xf32, #tpu.memory_space<hbm>> -> memref<100x100xf32, #tpu.memory_space<hbm>>
      %dma_start3A_35 = arith.constant 0 : i32
      %dma_start3A_36 = tpu.memref_slice %dma_start3A_34[%run_scoped3A_4, %dma_start3A_35] : memref<100x100xf32, #tpu.memory_space<hbm>> -> memref<1x100xf32, #tpu.memory_space<hbm>>
      %dma_start3A_37 = tpu.memref_squeeze %dma_start3A_36 : memref<1x100xf32, #tpu.memory_space<hbm>> -> memref<100xf32, #tpu.memory_space<hbm>>
      tpu.enqueue_dma source(%dma_start3A_37 : memref<100xf32, #tpu.memory_space<hbm>>) target(%arg12 : memref<100xf32, #tpu.memory_space<vmem>>) target_semaphore(%run_scoped3A_23 : memref<!tpu.dma_semaphore, #tpu.memory_space<semaphore_mem>>)
      %dma_wait3A = arith.constant 0 : i32
      %dma_wait3A_38 = arith.constant 0 : i32
      %dma_wait3A_39 = tpu.memref_slice %arg5[%add3A, %dma_wait3A, %dma_wait3A_38] : memref<32x100x100xf32, #tpu.memory_space<hbm>> -> memref<1x100x100xf32, #tpu.memory_space<hbm>>
      %dma_wait3A_40 = tpu.memref_squeeze %dma_wait3A_39 : memref<1x100x100xf32, #tpu.memory_space<hbm>> -> memref<100x100xf32, #tpu.memory_space<hbm>>
      %dma_wait3A_41 = arith.constant 0 : i32
      %dma_wait3A_42 = tpu.memref_slice %dma_wait3A_40[%run_scoped3A_4, %dma_wait3A_41] : memref<100x100xf32, #tpu.memory_space<hbm>> -> memref<1x100xf32, #tpu.memory_space<hbm>>
      %dma_wait3A_43 = tpu.memref_squeeze %dma_wait3A_42 : memref<1x100xf32, #tpu.memory_space<hbm>> -> memref<100xf32, #tpu.memory_space<hbm>>
      %dma_wait3A_44 = arith.constant 0 : i32
      %dma_wait3A_45 = arith.constant 0 : i32
      %dma_wait3A_46 = tpu.memref_slice %arg5[%add3A, %dma_wait3A_44, %dma_wait3A_45] : memref<32x100x100xf32, #tpu.memory_space<hbm>> -> memref<1x100x100xf32, #tpu.memory_space<hbm>>
      %dma_wait3A_47 = tpu.memref_squeeze %dma_wait3A_46 : memref<1x100x100xf32, #tpu.memory_space<hbm>> -> memref<100x100xf32, #tpu.memory_space<hbm>>
      %dma_wait3A_48 = arith.constant 0 : i32
      %dma_wait3A_49 = tpu.memref_slice %dma_wait3A_47[%run_scoped3A_4, %dma_wait3A_48] : memref<100x100xf32, #tpu.memory_space<hbm>> -> memref<1x100xf32, #tpu.memory_space<hbm>>
      %dma_wait3A_50 = tpu.memref_squeeze %dma_wait3A_49 : memref<1x100xf32, #tpu.memory_space<hbm>> -> memref<100xf32, #tpu.memory_space<hbm>>
      tpu.wait_dma2 semaphore(%run_scoped3A_23 : memref<!tpu.dma_semaphore, #tpu.memory_space<semaphore_mem>>) src(%dma_wait3A_50 : memref<100xf32, #tpu.memory_space<hbm>>) dst(%arg12 : memref<100xf32, #tpu.memory_space<vmem>>)
      tpu.yield
    }) : () -> ()
    %dma_start3A = arith.constant 0 : i32
    %dma_start3A_5 = arith.constant 0 : i32
    %dma_start3A_6 = tpu.memref_slice %arg2[%dma_start3A, %dma_start3A_5] : memref<10000x128xf32, #tpu.memory_space<hbm>> -> memref<10000x128xf32, #tpu.memory_space<hbm>>
    tpu.enqueue_indirect_dma source(%dma_start3A_6 : memref<10000x128xf32, #tpu.memory_space<hbm>>) target(%arg14 : memref<100x128xf32, #tpu.memory_space<vmem>>) offsets(%arg8 : memref<100xi32, #tpu.memory_space<vmem>>) semaphore(%arg17 : memref<!tpu.dma_semaphore, #tpu.memory_space<semaphore_mem>>)
    %run_scoped3A_7 = arith.constant 1 : i32
    "tpu.region"() ({
      %run_scoped3A_23 = tpu.sem_alloc : memref<!tpu.dma_semaphore, #tpu.memory_space<semaphore_mem>>
      %dma_start3A_24 = arith.constant 0 : i32
      %dma_start3A_25 = arith.constant 0 : i32
      %dma_start3A_26 = tpu.memref_slice %arg3[%add3A, %dma_start3A_24, %dma_start3A_25] : memref<32x100x100xi32, #tpu.memory_space<hbm>> -> memref<1x100x100xi32, #tpu.memory_space<hbm>>
      %dma_start3A_27 = tpu.memref_squeeze %dma_start3A_26 : memref<1x100x100xi32, #tpu.memory_space<hbm>> -> memref<100x100xi32, #tpu.memory_space<hbm>>
      %dma_start3A_28 = arith.constant 0 : i32
      %dma_start3A_29 = tpu.memref_slice %dma_start3A_27[%run_scoped3A_7, %dma_start3A_28] : memref<100x100xi32, #tpu.memory_space<hbm>> -> memref<1x100xi32, #tpu.memory_space<hbm>>
      %dma_start3A_30 = tpu.memref_squeeze %dma_start3A_29 : memref<1x100xi32, #tpu.memory_space<hbm>> -> memref<100xi32, #tpu.memory_space<hbm>>
      %dma_start3A_31 = arith.constant 0 : i32
      %dma_start3A_32 = arith.constant 0 : i32
      %dma_start3A_33 = tpu.memref_slice %arg3[%add3A, %dma_start3A_31, %dma_start3A_32] : memref<32x100x100xi32, #tpu.memory_space<hbm>> -> memref<1x100x100xi32, #tpu.memory_space<hbm>>
      %dma_start3A_34 = tpu.memref_squeeze %dma_start3A_33 : memref<1x100x100xi32, #tpu.memory_space<hbm>> -> memref<100x100xi32, #tpu.memory_space<hbm>>
      %dma_start3A_35 = arith.constant 0 : i32
      %dma_start3A_36 = tpu.memref_slice %dma_start3A_34[%run_scoped3A_7, %dma_start3A_35] : memref<100x100xi32, #tpu.memory_space<hbm>> -> memref<1x100xi32, #tpu.memory_space<hbm>>
      %dma_start3A_37 = tpu.memref_squeeze %dma_start3A_36 : memref<1x100xi32, #tpu.memory_space<hbm>> -> memref<100xi32, #tpu.memory_space<hbm>>
      tpu.enqueue_dma source(%dma_start3A_37 : memref<100xi32, #tpu.memory_space<hbm>>) target(%arg9 : memref<100xi32, #tpu.memory_space<vmem>>) target_semaphore(%run_scoped3A_23 : memref<!tpu.dma_semaphore, #tpu.memory_space<semaphore_mem>>)
      %dma_wait3A = arith.constant 0 : i32
      %dma_wait3A_38 = arith.constant 0 : i32
      %dma_wait3A_39 = tpu.memref_slice %arg3[%add3A, %dma_wait3A, %dma_wait3A_38] : memref<32x100x100xi32, #tpu.memory_space<hbm>> -> memref<1x100x100xi32, #tpu.memory_space<hbm>>
      %dma_wait3A_40 = tpu.memref_squeeze %dma_wait3A_39 : memref<1x100x100xi32, #tpu.memory_space<hbm>> -> memref<100x100xi32, #tpu.memory_space<hbm>>
      %dma_wait3A_41 = arith.constant 0 : i32
      %dma_wait3A_42 = tpu.memref_slice %dma_wait3A_40[%run_scoped3A_7, %dma_wait3A_41] : memref<100x100xi32, #tpu.memory_space<hbm>> -> memref<1x100xi32, #tpu.memory_space<hbm>>
      %dma_wait3A_43 = tpu.memref_squeeze %dma_wait3A_42 : memref<1x100xi32, #tpu.memory_space<hbm>> -> memref<100xi32, #tpu.memory_space<hbm>>
      %dma_wait3A_44 = arith.constant 0 : i32
      %dma_wait3A_45 = arith.constant 0 : i32
      %dma_wait3A_46 = tpu.memref_slice %arg3[%add3A, %dma_wait3A_44, %dma_wait3A_45] : memref<32x100x100xi32, #tpu.memory_space<hbm>> -> memref<1x100x100xi32, #tpu.memory_space<hbm>>
      %dma_wait3A_47 = tpu.memref_squeeze %dma_wait3A_46 : memref<1x100x100xi32, #tpu.memory_space<hbm>> -> memref<100x100xi32, #tpu.memory_space<hbm>>
      %dma_wait3A_48 = arith.constant 0 : i32
      %dma_wait3A_49 = tpu.memref_slice %dma_wait3A_47[%run_scoped3A_7, %dma_wait3A_48] : memref<100x100xi32, #tpu.memory_space<hbm>> -> memref<1x100xi32, #tpu.memory_space<hbm>>
      %dma_wait3A_50 = tpu.memref_squeeze %dma_wait3A_49 : memref<1x100xi32, #tpu.memory_space<hbm>> -> memref<100xi32, #tpu.memory_space<hbm>>
      tpu.wait_dma2 semaphore(%run_scoped3A_23 : memref<!tpu.dma_semaphore, #tpu.memory_space<semaphore_mem>>) src(%dma_wait3A_50 : memref<100xi32, #tpu.memory_space<hbm>>) dst(%arg9 : memref<100xi32, #tpu.memory_space<vmem>>)
      tpu.yield
    }) : () -> ()
    %run_scoped3A_8 = arith.constant 1 : i32
    "tpu.region"() ({
      %run_scoped3A_23 = tpu.sem_alloc : memref<!tpu.dma_semaphore, #tpu.memory_space<semaphore_mem>>
      %dma_start3A_24 = arith.constant 0 : i32
      %dma_start3A_25 = arith.constant 0 : i32
      %dma_start3A_26 = tpu.memref_slice %arg4[%add3A, %dma_start3A_24, %dma_start3A_25] : memref<32x100x100xi32, #tpu.memory_space<hbm>> -> memref<1x100x100xi32, #tpu.memory_space<hbm>>
      %dma_start3A_27 = tpu.memref_squeeze %dma_start3A_26 : memref<1x100x100xi32, #tpu.memory_space<hbm>> -> memref<100x100xi32, #tpu.memory_space<hbm>>
      %dma_start3A_28 = arith.constant 0 : i32
      %dma_start3A_29 = tpu.memref_slice %dma_start3A_27[%run_scoped3A_8, %dma_start3A_28] : memref<100x100xi32, #tpu.memory_space<hbm>> -> memref<1x100xi32, #tpu.memory_space<hbm>>
      %dma_start3A_30 = tpu.memref_squeeze %dma_start3A_29 : memref<1x100xi32, #tpu.memory_space<hbm>> -> memref<100xi32, #tpu.memory_space<hbm>>
      %dma_start3A_31 = arith.constant 0 : i32
      %dma_start3A_32 = arith.constant 0 : i32
      %dma_start3A_33 = tpu.memref_slice %arg4[%add3A, %dma_start3A_31, %dma_start3A_32] : memref<32x100x100xi32, #tpu.memory_space<hbm>> -> memref<1x100x100xi32, #tpu.memory_space<hbm>>
      %dma_start3A_34 = tpu.memref_squeeze %dma_start3A_33 : memref<1x100x100xi32, #tpu.memory_space<hbm>> -> memref<100x100xi32, #tpu.memory_space<hbm>>
      %dma_start3A_35 = arith.constant 0 : i32
      %dma_start3A_36 = tpu.memref_slice %dma_start3A_34[%run_scoped3A_8, %dma_start3A_35] : memref<100x100xi32, #tpu.memory_space<hbm>> -> memref<1x100xi32, #tpu.memory_space<hbm>>
      %dma_start3A_37 = tpu.memref_squeeze %dma_start3A_36 : memref<1x100xi32, #tpu.memory_space<hbm>> -> memref<100xi32, #tpu.memory_space<hbm>>
      tpu.enqueue_dma source(%dma_start3A_37 : memref<100xi32, #tpu.memory_space<hbm>>) target(%arg11 : memref<100xi32, #tpu.memory_space<vmem>>) target_semaphore(%run_scoped3A_23 : memref<!tpu.dma_semaphore, #tpu.memory_space<semaphore_mem>>)
      %dma_wait3A = arith.constant 0 : i32
      %dma_wait3A_38 = arith.constant 0 : i32
      %dma_wait3A_39 = tpu.memref_slice %arg4[%add3A, %dma_wait3A, %dma_wait3A_38] : memref<32x100x100xi32, #tpu.memory_space<hbm>> -> memref<1x100x100xi32, #tpu.memory_space<hbm>>
      %dma_wait3A_40 = tpu.memref_squeeze %dma_wait3A_39 : memref<1x100x100xi32, #tpu.memory_space<hbm>> -> memref<100x100xi32, #tpu.memory_space<hbm>>
      %dma_wait3A_41 = arith.constant 0 : i32
      %dma_wait3A_42 = tpu.memref_slice %dma_wait3A_40[%run_scoped3A_8, %dma_wait3A_41] : memref<100x100xi32, #tpu.memory_space<hbm>> -> memref<1x100xi32, #tpu.memory_space<hbm>>
      %dma_wait3A_43 = tpu.memref_squeeze %dma_wait3A_42 : memref<1x100xi32, #tpu.memory_space<hbm>> -> memref<100xi32, #tpu.memory_space<hbm>>
      %dma_wait3A_44 = arith.constant 0 : i32
      %dma_wait3A_45 = arith.constant 0 : i32
      %dma_wait3A_46 = tpu.memref_slice %arg4[%add3A, %dma_wait3A_44, %dma_wait3A_45] : memref<32x100x100xi32, #tpu.memory_space<hbm>> -> memref<1x100x100xi32, #tpu.memory_space<hbm>>
      %dma_wait3A_47 = tpu.memref_squeeze %dma_wait3A_46 : memref<1x100x100xi32, #tpu.memory_space<hbm>> -> memref<100x100xi32, #tpu.memory_space<hbm>>
      %dma_wait3A_48 = arith.constant 0 : i32
      %dma_wait3A_49 = tpu.memref_slice %dma_wait3A_47[%run_scoped3A_8, %dma_wait3A_48] : memref<100x100xi32, #tpu.memory_space<hbm>> -> memref<1x100xi32, #tpu.memory_space<hbm>>
      %dma_wait3A_50 = tpu.memref_squeeze %dma_wait3A_49 : memref<1x100xi32, #tpu.memory_space<hbm>> -> memref<100xi32, #tpu.memory_space<hbm>>
      tpu.wait_dma2 semaphore(%run_scoped3A_23 : memref<!tpu.dma_semaphore, #tpu.memory_space<semaphore_mem>>) src(%dma_wait3A_50 : memref<100xi32, #tpu.memory_space<hbm>>) dst(%arg11 : memref<100xi32, #tpu.memory_space<vmem>>)
      tpu.yield
    }) : () -> ()
    %run_scoped3A_9 = arith.constant 1 : i32
    "tpu.region"() ({
      %run_scoped3A_23 = tpu.sem_alloc : memref<!tpu.dma_semaphore, #tpu.memory_space<semaphore_mem>>
      %dma_start3A_24 = arith.constant 0 : i32
      %dma_start3A_25 = arith.constant 0 : i32
      %dma_start3A_26 = tpu.memref_slice %arg5[%add3A, %dma_start3A_24, %dma_start3A_25] : memref<32x100x100xf32, #tpu.memory_space<hbm>> -> memref<1x100x100xf32, #tpu.memory_space<hbm>>
      %dma_start3A_27 = tpu.memref_squeeze %dma_start3A_26 : memref<1x100x100xf32, #tpu.memory_space<hbm>> -> memref<100x100xf32, #tpu.memory_space<hbm>>
      %dma_start3A_28 = arith.constant 0 : i32
      %dma_start3A_29 = tpu.memref_slice %dma_start3A_27[%run_scoped3A_9, %dma_start3A_28] : memref<100x100xf32, #tpu.memory_space<hbm>> -> memref<1x100xf32, #tpu.memory_space<hbm>>
      %dma_start3A_30 = tpu.memref_squeeze %dma_start3A_29 : memref<1x100xf32, #tpu.memory_space<hbm>> -> memref<100xf32, #tpu.memory_space<hbm>>
      %dma_start3A_31 = arith.constant 0 : i32
      %dma_start3A_32 = arith.constant 0 : i32
      %dma_start3A_33 = tpu.memref_slice %arg5[%add3A, %dma_start3A_31, %dma_start3A_32] : memref<32x100x100xf32, #tpu.memory_space<hbm>> -> memref<1x100x100xf32, #tpu.memory_space<hbm>>
      %dma_start3A_34 = tpu.memref_squeeze %dma_start3A_33 : memref<1x100x100xf32, #tpu.memory_space<hbm>> -> memref<100x100xf32, #tpu.memory_space<hbm>>
      %dma_start3A_35 = arith.constant 0 : i32
      %dma_start3A_36 = tpu.memref_slice %dma_start3A_34[%run_scoped3A_9, %dma_start3A_35] : memref<100x100xf32, #tpu.memory_space<hbm>> -> memref<1x100xf32, #tpu.memory_space<hbm>>
      %dma_start3A_37 = tpu.memref_squeeze %dma_start3A_36 : memref<1x100xf32, #tpu.memory_space<hbm>> -> memref<100xf32, #tpu.memory_space<hbm>>
      tpu.enqueue_dma source(%dma_start3A_37 : memref<100xf32, #tpu.memory_space<hbm>>) target(%arg13 : memref<100xf32, #tpu.memory_space<vmem>>) target_semaphore(%run_scoped3A_23 : memref<!tpu.dma_semaphore, #tpu.memory_space<semaphore_mem>>)
      %dma_wait3A = arith.constant 0 : i32
      %dma_wait3A_38 = arith.constant 0 : i32
      %dma_wait3A_39 = tpu.memref_slice %arg5[%add3A, %dma_wait3A, %dma_wait3A_38] : memref<32x100x100xf32, #tpu.memory_space<hbm>> -> memref<1x100x100xf32, #tpu.memory_space<hbm>>
      %dma_wait3A_40 = tpu.memref_squeeze %dma_wait3A_39 : memref<1x100x100xf32, #tpu.memory_space<hbm>> -> memref<100x100xf32, #tpu.memory_space<hbm>>
      %dma_wait3A_41 = arith.constant 0 : i32
      %dma_wait3A_42 = tpu.memref_slice %dma_wait3A_40[%run_scoped3A_9, %dma_wait3A_41] : memref<100x100xf32, #tpu.memory_space<hbm>> -> memref<1x100xf32, #tpu.memory_space<hbm>>
      %dma_wait3A_43 = tpu.memref_squeeze %dma_wait3A_42 : memref<1x100xf32, #tpu.memory_space<hbm>> -> memref<100xf32, #tpu.memory_space<hbm>>
      %dma_wait3A_44 = arith.constant 0 : i32
      %dma_wait3A_45 = arith.constant 0 : i32
      %dma_wait3A_46 = tpu.memref_slice %arg5[%add3A, %dma_wait3A_44, %dma_wait3A_45] : memref<32x100x100xf32, #tpu.memory_space<hbm>> -> memref<1x100x100xf32, #tpu.memory_space<hbm>>
      %dma_wait3A_47 = tpu.memref_squeeze %dma_wait3A_46 : memref<1x100x100xf32, #tpu.memory_space<hbm>> -> memref<100x100xf32, #tpu.memory_space<hbm>>
      %dma_wait3A_48 = arith.constant 0 : i32
      %dma_wait3A_49 = tpu.memref_slice %dma_wait3A_47[%run_scoped3A_9, %dma_wait3A_48] : memref<100x100xf32, #tpu.memory_space<hbm>> -> memref<1x100xf32, #tpu.memory_space<hbm>>
      %dma_wait3A_50 = tpu.memref_squeeze %dma_wait3A_49 : memref<1x100xf32, #tpu.memory_space<hbm>> -> memref<100xf32, #tpu.memory_space<hbm>>
      tpu.wait_dma2 semaphore(%run_scoped3A_23 : memref<!tpu.dma_semaphore, #tpu.memory_space<semaphore_mem>>) src(%dma_wait3A_50 : memref<100xf32, #tpu.memory_space<hbm>>) dst(%arg13 : memref<100xf32, #tpu.memory_space<vmem>>)
      tpu.yield
    }) : () -> ()
    %dma_start3A_10 = arith.constant 0 : i32
    %dma_start3A_11 = arith.constant 0 : i32
    %dma_start3A_12 = tpu.memref_slice %arg2[%dma_start3A_10, %dma_start3A_11] : memref<10000x128xf32, #tpu.memory_space<hbm>> -> memref<10000x128xf32, #tpu.memory_space<hbm>>
    tpu.enqueue_indirect_dma source(%dma_start3A_12 : memref<10000x128xf32, #tpu.memory_space<hbm>>) target(%arg15 : memref<100x128xf32, #tpu.memory_space<vmem>>) offsets(%arg9 : memref<100xi32, #tpu.memory_space<vmem>>) semaphore(%arg18 : memref<!tpu.dma_semaphore, #tpu.memory_space<semaphore_mem>>)
    %scan3A = arith.constant 0 : i32
    %scan3A_13 = arith.constant 50 : i32
    %scan3A_14 = arith.addi %scan3A, %scan3A_13 : i32
    %scan3A_15 = arith.constant 1 : i32
    scf.for %scan3A_23 = %scan3A to %scan3A_14 step %scan3A_15  : i32 {
      %mul3A_24 = arith.constant 1 : i32
      %mul3A_25 = arith.muli %scan3A_23, %mul3A_24 : i32
      %add3A_26 = arith.constant 0 : i32
      %add3A_27 = arith.addi %add3A_26, %mul3A_25 : i32
      %mul3A_28 = arith.constant 2 : i32
      %mul3A_29 = arith.muli %mul3A_28, %add3A_27 : i32
      %dma_wait3A = arith.constant 0 : i32
      %dma_wait3A_30 = arith.constant 0 : i32
      %dma_wait3A_31 = tpu.memref_slice %arg2[%dma_wait3A, %dma_wait3A_30] : memref<10000x128xf32, #tpu.memory_space<hbm>> -> memref<10000x128xf32, #tpu.memory_space<hbm>>
      tpu.wait_indirect_dma semaphore(%arg17 : memref<!tpu.dma_semaphore, #tpu.memory_space<semaphore_mem>>) src(%dma_wait3A_31 : memref<10000x128xf32, #tpu.memory_space<hbm>>) dst(%arg14 : memref<100x128xf32, #tpu.memory_space<vmem>>)
      %scan3A_32 = arith.constant 0 : i32
      %scan3A_33 = arith.constant 100 : i32
      %scan3A_34 = arith.addi %scan3A_32, %scan3A_33 : i32
      %scan3A_35 = arith.constant 1 : i32
      scf.for %scan3A_56 = %scan3A_32 to %scan3A_34 step %scan3A_35  : i32 {
        %mul3A_57 = arith.constant 1 : i32
        %mul3A_58 = arith.muli %scan3A_56, %mul3A_57 : i32
        %add3A_59 = arith.constant 0 : i32
        %add3A_60 = arith.addi %add3A_59, %mul3A_58 : i32
        %broadcast_in_dim3A = vector.broadcast %add3A_60 : i32 to vector<16xi32>
        %gather3A = tpu.vector_load_idx %arg12[%broadcast_in_dim3A] : memref<100xf32, #tpu.memory_space<vmem>>[vector<16xi32>], vector<16xf32>,
        %get3A = arith.index_cast %add3A_60 : i32 to index
        %get3A_61 = arith.constant 0 : index
        %get3A_62 = tpu.vector_load %arg14[%get3A, %get3A_61] {strides = array<i32>} : memref<100x128xf32, #tpu.memory_space<vmem>>, vector<16xf32>,
        %mul3A_63 = arith.mulf %get3A_62, %gather3A : vector<16xf32>
        %swap3A = arith.index_cast %add3A_60 : i32 to index
        %swap3A_64 = arith.constant 0 : index
        %swap3A_65 = tpu.vector_load %arg16[%swap3A, %swap3A_64] {strides = array<i32>} : memref<100x128xf32, #tpu.memory_space<vmem>>, vector<16xf32>,
        tpu.vector_store %arg16[%swap3A, %swap3A_64], %mul3A_63 {strides = array<i32>} : memref<100x128xf32, #tpu.memory_space<vmem>>, vector<16xf32>,
        %get3A_66 = arith.index_cast %add3A_60 : i32 to index
        %get3A_67 = arith.constant 16 : index
        %get3A_68 = tpu.vector_load %arg14[%get3A_66, %get3A_67] {strides = array<i32>} : memref<100x128xf32, #tpu.memory_space<vmem>>, vector<16xf32>,
        %mul3A_69 = arith.mulf %get3A_68, %gather3A : vector<16xf32>
        %swap3A_70 = arith.index_cast %add3A_60 : i32 to index
        %swap3A_71 = arith.constant 16 : index
        %swap3A_72 = tpu.vector_load %arg16[%swap3A_70, %swap3A_71] {strides = array<i32>} : memref<100x128xf32, #tpu.memory_space<vmem>>, vector<16xf32>,
        tpu.vector_store %arg16[%swap3A_70, %swap3A_71], %mul3A_69 {strides = array<i32>} : memref<100x128xf32, #tpu.memory_space<vmem>>, vector<16xf32>,
        %get3A_73 = arith.index_cast %add3A_60 : i32 to index
        %get3A_74 = arith.constant 32 : index
        %get3A_75 = tpu.vector_load %arg14[%get3A_73, %get3A_74] {strides = array<i32>} : memref<100x128xf32, #tpu.memory_space<vmem>>, vector<16xf32>,
        %mul3A_76 = arith.mulf %get3A_75, %gather3A : vector<16xf32>
        %swap3A_77 = arith.index_cast %add3A_60 : i32 to index
        %swap3A_78 = arith.constant 32 : index
        %swap3A_79 = tpu.vector_load %arg16[%swap3A_77, %swap3A_78] {strides = array<i32>} : memref<100x128xf32, #tpu.memory_space<vmem>>, vector<16xf32>,
        tpu.vector_store %arg16[%swap3A_77, %swap3A_78], %mul3A_76 {strides = array<i32>} : memref<100x128xf32, #tpu.memory_space<vmem>>, vector<16xf32>,
        %get3A_80 = arith.index_cast %add3A_60 : i32 to index
        %get3A_81 = arith.constant 48 : index
        %get3A_82 = tpu.vector_load %arg14[%get3A_80, %get3A_81] {strides = array<i32>} : memref<100x128xf32, #tpu.memory_space<vmem>>, vector<16xf32>,
        %mul3A_83 = arith.mulf %get3A_82, %gather3A : vector<16xf32>
        %swap3A_84 = arith.index_cast %add3A_60 : i32 to index
        %swap3A_85 = arith.constant 48 : index
        %swap3A_86 = tpu.vector_load %arg16[%swap3A_84, %swap3A_85] {strides = array<i32>} : memref<100x128xf32, #tpu.memory_space<vmem>>, vector<16xf32>,
        tpu.vector_store %arg16[%swap3A_84, %swap3A_85], %mul3A_83 {strides = array<i32>} : memref<100x128xf32, #tpu.memory_space<vmem>>, vector<16xf32>,
        %get3A_87 = arith.index_cast %add3A_60 : i32 to index
        %get3A_88 = arith.constant 64 : index
        %get3A_89 = tpu.vector_load %arg14[%get3A_87, %get3A_88] {strides = array<i32>} : memref<100x128xf32, #tpu.memory_space<vmem>>, vector<16xf32>,
        %mul3A_90 = arith.mulf %get3A_89, %gather3A : vector<16xf32>
        %swap3A_91 = arith.index_cast %add3A_60 : i32 to index
        %swap3A_92 = arith.constant 64 : index
        %swap3A_93 = tpu.vector_load %arg16[%swap3A_91, %swap3A_92] {strides = array<i32>} : memref<100x128xf32, #tpu.memory_space<vmem>>, vector<16xf32>,
        tpu.vector_store %arg16[%swap3A_91, %swap3A_92], %mul3A_90 {strides = array<i32>} : memref<100x128xf32, #tpu.memory_space<vmem>>, vector<16xf32>,
        %get3A_94 = arith.index_cast %add3A_60 : i32 to index
        %get3A_95 = arith.constant 80 : index
        %get3A_96 = tpu.vector_load %arg14[%get3A_94, %get3A_95] {strides = array<i32>} : memref<100x128xf32, #tpu.memory_space<vmem>>, vector<16xf32>,
        %mul3A_97 = arith.mulf %get3A_96, %gather3A : vector<16xf32>
        %swap3A_98 = arith.index_cast %add3A_60 : i32 to index
        %swap3A_99 = arith.constant 80 : index
        %swap3A_100 = tpu.vector_load %arg16[%swap3A_98, %swap3A_99] {strides = array<i32>} : memref<100x128xf32, #tpu.memory_space<vmem>>, vector<16xf32>,
        tpu.vector_store %arg16[%swap3A_98, %swap3A_99], %mul3A_97 {strides = array<i32>} : memref<100x128xf32, #tpu.memory_space<vmem>>, vector<16xf32>,
        %get3A_101 = arith.index_cast %add3A_60 : i32 to index
        %get3A_102 = arith.constant 96 : index
        %get3A_103 = tpu.vector_load %arg14[%get3A_101, %get3A_102] {strides = array<i32>} : memref<100x128xf32, #tpu.memory_space<vmem>>, vector<16xf32>,
        %mul3A_104 = arith.mulf %get3A_103, %gather3A : vector<16xf32>
        %swap3A_105 = arith.index_cast %add3A_60 : i32 to index
        %swap3A_106 = arith.constant 96 : index
        %swap3A_107 = tpu.vector_load %arg16[%swap3A_105, %swap3A_106] {strides = array<i32>} : memref<100x128xf32, #tpu.memory_space<vmem>>, vector<16xf32>,
        tpu.vector_store %arg16[%swap3A_105, %swap3A_106], %mul3A_104 {strides = array<i32>} : memref<100x128xf32, #tpu.memory_space<vmem>>, vector<16xf32>,
        %get3A_108 = arith.index_cast %add3A_60 : i32 to index
        %get3A_109 = arith.constant 112 : index
        %get3A_110 = tpu.vector_load %arg14[%get3A_108, %get3A_109] {strides = array<i32>} : memref<100x128xf32, #tpu.memory_space<vmem>>, vector<16xf32>,
        %mul3A_111 = arith.mulf %get3A_110, %gather3A : vector<16xf32>
        %swap3A_112 = arith.index_cast %add3A_60 : i32 to index
        %swap3A_113 = arith.constant 112 : index
        %swap3A_114 = tpu.vector_load %arg16[%swap3A_112, %swap3A_113] {strides = array<i32>} : memref<100x128xf32, #tpu.memory_space<vmem>>, vector<16xf32>,
        tpu.vector_store %arg16[%swap3A_112, %swap3A_113], %mul3A_111 {strides = array<i32>} : memref<100x128xf32, #tpu.memory_space<vmem>>, vector<16xf32>,
      }
      %scan3A_36 = arith.constant 100 : i32
      "tpu.region"() ({
        %run_scoped3A_56 = tpu.sem_alloc : memref<!tpu.dma_semaphore, #tpu.memory_space<semaphore_mem>>
        %dma_start3A_57 = arith.constant 0 : i32
        %dma_start3A_58 = arith.constant 0 : i32
        %dma_start3A_59 = tpu.memref_slice %arg19[%dma_start3A_57, %dma_start3A_58] : memref<10000x128xf32, #tpu.memory_space<vmem_shared>> -> memref<10000x128xf32, #tpu.memory_space<vmem_shared>>
        tpu.enqueue_indirect_dma source(%arg16 : memref<100x128xf32, #tpu.memory_space<vmem>>) target(%dma_start3A_59 : memref<10000x128xf32, #tpu.memory_space<vmem_shared>>) offsets(%arg10 : memref<100xi32, #tpu.memory_space<vmem>>) semaphore(%run_scoped3A_56 : memref<!tpu.dma_semaphore, #tpu.memory_space<semaphore_mem>>) {add = true}
        %dma_wait3A_60 = arith.constant 0 : i32
        %dma_wait3A_61 = arith.constant 0 : i32
        %dma_wait3A_62 = tpu.memref_slice %arg19[%dma_wait3A_60, %dma_wait3A_61] : memref<10000x128xf32, #tpu.memory_space<vmem_shared>> -> memref<10000x128xf32, #tpu.memory_space<vmem_shared>>
        tpu.wait_indirect_dma semaphore(%run_scoped3A_56 : memref<!tpu.dma_semaphore, #tpu.memory_space<semaphore_mem>>) src(%arg16 : memref<100x128xf32, #tpu.memory_space<vmem>>) dst(%dma_wait3A_62 : memref<10000x128xf32, #tpu.memory_space<vmem_shared>>)
        tpu.yield
      }) : () -> ()
      %lt3A = arith.constant 49 : i32
      %lt3A_37 = arith.cmpi slt, %add3A_27, %lt3A : i32
      %convert_element_type3A_38 = arith.extui %lt3A_37 : i1 to i32
      %cond3A_39 = arith.constant 0 : i32
      %cond3A_40 = arith.cmpi ne, %convert_element_type3A_38, %cond3A_39 : i32
      scf.if %cond3A_40 {
        %add3A_56 = arith.constant 2 : i32
        %add3A_57 = arith.addi %mul3A_29, %add3A_56 : i32
        "tpu.region"() ({
          %run_scoped3A_61 = tpu.sem_alloc : memref<!tpu.dma_semaphore, #tpu.memory_space<semaphore_mem>>
          %dma_start3A_62 = arith.constant 0 : i32
          %dma_start3A_63 = arith.constant 0 : i32
          %dma_start3A_64 = tpu.memref_slice %arg3[%add3A, %dma_start3A_62, %dma_start3A_63] : memref<32x100x100xi32, #tpu.memory_space<hbm>> -> memref<1x100x100xi32, #tpu.memory_space<hbm>>
          %dma_start3A_65 = tpu.memref_squeeze %dma_start3A_64 : memref<1x100x100xi32, #tpu.memory_space<hbm>> -> memref<100x100xi32, #tpu.memory_space<hbm>>
          %dma_start3A_66 = arith.constant 0 : i32
          %dma_start3A_67 = tpu.memref_slice %dma_start3A_65[%add3A_57, %dma_start3A_66] : memref<100x100xi32, #tpu.memory_space<hbm>> -> memref<1x100xi32, #tpu.memory_space<hbm>>
          %dma_start3A_68 = tpu.memref_squeeze %dma_start3A_67 : memref<1x100xi32, #tpu.memory_space<hbm>> -> memref<100xi32, #tpu.memory_space<hbm>>
          %dma_start3A_69 = arith.constant 0 : i32
          %dma_start3A_70 = arith.constant 0 : i32
          %dma_start3A_71 = tpu.memref_slice %arg3[%add3A, %dma_start3A_69, %dma_start3A_70] : memref<32x100x100xi32, #tpu.memory_space<hbm>> -> memref<1x100x100xi32, #tpu.memory_space<hbm>>
          %dma_start3A_72 = tpu.memref_squeeze %dma_start3A_71 : memref<1x100x100xi32, #tpu.memory_space<hbm>> -> memref<100x100xi32, #tpu.memory_space<hbm>>
          %dma_start3A_73 = arith.constant 0 : i32
          %dma_start3A_74 = tpu.memref_slice %dma_start3A_72[%add3A_57, %dma_start3A_73] : memref<100x100xi32, #tpu.memory_space<hbm>> -> memref<1x100xi32, #tpu.memory_space<hbm>>
          %dma_start3A_75 = tpu.memref_squeeze %dma_start3A_74 : memref<1x100xi32, #tpu.memory_space<hbm>> -> memref<100xi32, #tpu.memory_space<hbm>>
          tpu.enqueue_dma source(%dma_start3A_75 : memref<100xi32, #tpu.memory_space<hbm>>) target(%arg8 : memref<100xi32, #tpu.memory_space<vmem>>) target_semaphore(%run_scoped3A_61 : memref<!tpu.dma_semaphore, #tpu.memory_space<semaphore_mem>>)
          %dma_wait3A_76 = arith.constant 0 : i32
          %dma_wait3A_77 = arith.constant 0 : i32
          %dma_wait3A_78 = tpu.memref_slice %arg3[%add3A, %dma_wait3A_76, %dma_wait3A_77] : memref<32x100x100xi32, #tpu.memory_space<hbm>> -> memref<1x100x100xi32, #tpu.memory_space<hbm>>
          %dma_wait3A_79 = tpu.memref_squeeze %dma_wait3A_78 : memref<1x100x100xi32, #tpu.memory_space<hbm>> -> memref<100x100xi32, #tpu.memory_space<hbm>>
          %dma_wait3A_80 = arith.constant 0 : i32
          %dma_wait3A_81 = tpu.memref_slice %dma_wait3A_79[%add3A_57, %dma_wait3A_80] : memref<100x100xi32, #tpu.memory_space<hbm>> -> memref<1x100xi32, #tpu.memory_space<hbm>>
          %dma_wait3A_82 = tpu.memref_squeeze %dma_wait3A_81 : memref<1x100xi32, #tpu.memory_space<hbm>> -> memref<100xi32, #tpu.memory_space<hbm>>
          %dma_wait3A_83 = arith.constant 0 : i32
          %dma_wait3A_84 = arith.constant 0 : i32
          %dma_wait3A_85 = tpu.memref_slice %arg3[%add3A, %dma_wait3A_83, %dma_wait3A_84] : memref<32x100x100xi32, #tpu.memory_space<hbm>> -> memref<1x100x100xi32, #tpu.memory_space<hbm>>
          %dma_wait3A_86 = tpu.memref_squeeze %dma_wait3A_85 : memref<1x100x100xi32, #tpu.memory_space<hbm>> -> memref<100x100xi32, #tpu.memory_space<hbm>>
          %dma_wait3A_87 = arith.constant 0 : i32
          %dma_wait3A_88 = tpu.memref_slice %dma_wait3A_86[%add3A_57, %dma_wait3A_87] : memref<100x100xi32, #tpu.memory_space<hbm>> -> memref<1x100xi32, #tpu.memory_space<hbm>>
          %dma_wait3A_89 = tpu.memref_squeeze %dma_wait3A_88 : memref<1x100xi32, #tpu.memory_space<hbm>> -> memref<100xi32, #tpu.memory_space<hbm>>
          tpu.wait_dma2 semaphore(%run_scoped3A_61 : memref<!tpu.dma_semaphore, #tpu.memory_space<semaphore_mem>>) src(%dma_wait3A_89 : memref<100xi32, #tpu.memory_space<hbm>>) dst(%arg8 : memref<100xi32, #tpu.memory_space<vmem>>)
          tpu.yield
        }) : () -> ()
        "tpu.region"() ({
          %run_scoped3A_61 = tpu.sem_alloc : memref<!tpu.dma_semaphore, #tpu.memory_space<semaphore_mem>>
          %dma_start3A_62 = arith.constant 0 : i32
          %dma_start3A_63 = arith.constant 0 : i32
          %dma_start3A_64 = tpu.memref_slice %arg4[%add3A, %dma_start3A_62, %dma_start3A_63] : memref<32x100x100xi32, #tpu.memory_space<hbm>> -> memref<1x100x100xi32, #tpu.memory_space<hbm>>
          %dma_start3A_65 = tpu.memref_squeeze %dma_start3A_64 : memref<1x100x100xi32, #tpu.memory_space<hbm>> -> memref<100x100xi32, #tpu.memory_space<hbm>>
          %dma_start3A_66 = arith.constant 0 : i32
          %dma_start3A_67 = tpu.memref_slice %dma_start3A_65[%add3A_57, %dma_start3A_66] : memref<100x100xi32, #tpu.memory_space<hbm>> -> memref<1x100xi32, #tpu.memory_space<hbm>>
          %dma_start3A_68 = tpu.memref_squeeze %dma_start3A_67 : memref<1x100xi32, #tpu.memory_space<hbm>> -> memref<100xi32, #tpu.memory_space<hbm>>
          %dma_start3A_69 = arith.constant 0 : i32
          %dma_start3A_70 = arith.constant 0 : i32
          %dma_start3A_71 = tpu.memref_slice %arg4[%add3A, %dma_start3A_69, %dma_start3A_70] : memref<32x100x100xi32, #tpu.memory_space<hbm>> -> memref<1x100x100xi32, #tpu.memory_space<hbm>>
          %dma_start3A_72 = tpu.memref_squeeze %dma_start3A_71 : memref<1x100x100xi32, #tpu.memory_space<hbm>> -> memref<100x100xi32, #tpu.memory_space<hbm>>
          %dma_start3A_73 = arith.constant 0 : i32
          %dma_start3A_74 = tpu.memref_slice %dma_start3A_72[%add3A_57, %dma_start3A_73] : memref<100x100xi32, #tpu.memory_space<hbm>> -> memref<1x100xi32, #tpu.memory_space<hbm>>
          %dma_start3A_75 = tpu.memref_squeeze %dma_start3A_74 : memref<1x100xi32, #tpu.memory_space<hbm>> -> memref<100xi32, #tpu.memory_space<hbm>>
          tpu.enqueue_dma source(%dma_start3A_75 : memref<100xi32, #tpu.memory_space<hbm>>) target(%arg10 : memref<100xi32, #tpu.memory_space<vmem>>) target_semaphore(%run_scoped3A_61 : memref<!tpu.dma_semaphore, #tpu.memory_space<semaphore_mem>>)
          %dma_wait3A_76 = arith.constant 0 : i32
          %dma_wait3A_77 = arith.constant 0 : i32
          %dma_wait3A_78 = tpu.memref_slice %arg4[%add3A, %dma_wait3A_76, %dma_wait3A_77] : memref<32x100x100xi32, #tpu.memory_space<hbm>> -> memref<1x100x100xi32, #tpu.memory_space<hbm>>
          %dma_wait3A_79 = tpu.memref_squeeze %dma_wait3A_78 : memref<1x100x100xi32, #tpu.memory_space<hbm>> -> memref<100x100xi32, #tpu.memory_space<hbm>>
          %dma_wait3A_80 = arith.constant 0 : i32
          %dma_wait3A_81 = tpu.memref_slice %dma_wait3A_79[%add3A_57, %dma_wait3A_80] : memref<100x100xi32, #tpu.memory_space<hbm>> -> memref<1x100xi32, #tpu.memory_space<hbm>>
          %dma_wait3A_82 = tpu.memref_squeeze %dma_wait3A_81 : memref<1x100xi32, #tpu.memory_space<hbm>> -> memref<100xi32, #tpu.memory_space<hbm>>
          %dma_wait3A_83 = arith.constant 0 : i32
          %dma_wait3A_84 = arith.constant 0 : i32
          %dma_wait3A_85 = tpu.memref_slice %arg4[%add3A, %dma_wait3A_83, %dma_wait3A_84] : memref<32x100x100xi32, #tpu.memory_space<hbm>> -> memref<1x100x100xi32, #tpu.memory_space<hbm>>
          %dma_wait3A_86 = tpu.memref_squeeze %dma_wait3A_85 : memref<1x100x100xi32, #tpu.memory_space<hbm>> -> memref<100x100xi32, #tpu.memory_space<hbm>>
          %dma_wait3A_87 = arith.constant 0 : i32
          %dma_wait3A_88 = tpu.memref_slice %dma_wait3A_86[%add3A_57, %dma_wait3A_87] : memref<100x100xi32, #tpu.memory_space<hbm>> -> memref<1x100xi32, #tpu.memory_space<hbm>>
          %dma_wait3A_89 = tpu.memref_squeeze %dma_wait3A_88 : memref<1x100xi32, #tpu.memory_space<hbm>> -> memref<100xi32, #tpu.memory_space<hbm>>
          tpu.wait_dma2 semaphore(%run_scoped3A_61 : memref<!tpu.dma_semaphore, #tpu.memory_space<semaphore_mem>>) src(%dma_wait3A_89 : memref<100xi32, #tpu.memory_space<hbm>>) dst(%arg10 : memref<100xi32, #tpu.memory_space<vmem>>)
          tpu.yield
        }) : () -> ()
        "tpu.region"() ({
          %run_scoped3A_61 = tpu.sem_alloc : memref<!tpu.dma_semaphore, #tpu.memory_space<semaphore_mem>>
          %dma_start3A_62 = arith.constant 0 : i32
          %dma_start3A_63 = arith.constant 0 : i32
          %dma_start3A_64 = tpu.memref_slice %arg5[%add3A, %dma_start3A_62, %dma_start3A_63] : memref<32x100x100xf32, #tpu.memory_space<hbm>> -> memref<1x100x100xf32, #tpu.memory_space<hbm>>
          %dma_start3A_65 = tpu.memref_squeeze %dma_start3A_64 : memref<1x100x100xf32, #tpu.memory_space<hbm>> -> memref<100x100xf32, #tpu.memory_space<hbm>>
          %dma_start3A_66 = arith.constant 0 : i32
          %dma_start3A_67 = tpu.memref_slice %dma_start3A_65[%add3A_57, %dma_start3A_66] : memref<100x100xf32, #tpu.memory_space<hbm>> -> memref<1x100xf32, #tpu.memory_space<hbm>>
          %dma_start3A_68 = tpu.memref_squeeze %dma_start3A_67 : memref<1x100xf32, #tpu.memory_space<hbm>> -> memref<100xf32, #tpu.memory_space<hbm>>
          %dma_start3A_69 = arith.constant 0 : i32
          %dma_start3A_70 = arith.constant 0 : i32
          %dma_start3A_71 = tpu.memref_slice %arg5[%add3A, %dma_start3A_69, %dma_start3A_70] : memref<32x100x100xf32, #tpu.memory_space<hbm>> -> memref<1x100x100xf32, #tpu.memory_space<hbm>>
          %dma_start3A_72 = tpu.memref_squeeze %dma_start3A_71 : memref<1x100x100xf32, #tpu.memory_space<hbm>> -> memref<100x100xf32, #tpu.memory_space<hbm>>
          %dma_start3A_73 = arith.constant 0 : i32
          %dma_start3A_74 = tpu.memref_slice %dma_start3A_72[%add3A_57, %dma_start3A_73] : memref<100x100xf32, #tpu.memory_space<hbm>> -> memref<1x100xf32, #tpu.memory_space<hbm>>
          %dma_start3A_75 = tpu.memref_squeeze %dma_start3A_74 : memref<1x100xf32, #tpu.memory_space<hbm>> -> memref<100xf32, #tpu.memory_space<hbm>>
          tpu.enqueue_dma source(%dma_start3A_75 : memref<100xf32, #tpu.memory_space<hbm>>) target(%arg12 : memref<100xf32, #tpu.memory_space<vmem>>) target_semaphore(%run_scoped3A_61 : memref<!tpu.dma_semaphore, #tpu.memory_space<semaphore_mem>>)
          %dma_wait3A_76 = arith.constant 0 : i32
          %dma_wait3A_77 = arith.constant 0 : i32
          %dma_wait3A_78 = tpu.memref_slice %arg5[%add3A, %dma_wait3A_76, %dma_wait3A_77] : memref<32x100x100xf32, #tpu.memory_space<hbm>> -> memref<1x100x100xf32, #tpu.memory_space<hbm>>
          %dma_wait3A_79 = tpu.memref_squeeze %dma_wait3A_78 : memref<1x100x100xf32, #tpu.memory_space<hbm>> -> memref<100x100xf32, #tpu.memory_space<hbm>>
          %dma_wait3A_80 = arith.constant 0 : i32
          %dma_wait3A_81 = tpu.memref_slice %dma_wait3A_79[%add3A_57, %dma_wait3A_80] : memref<100x100xf32, #tpu.memory_space<hbm>> -> memref<1x100xf32, #tpu.memory_space<hbm>>
          %dma_wait3A_82 = tpu.memref_squeeze %dma_wait3A_81 : memref<1x100xf32, #tpu.memory_space<hbm>> -> memref<100xf32, #tpu.memory_space<hbm>>
          %dma_wait3A_83 = arith.constant 0 : i32
          %dma_wait3A_84 = arith.constant 0 : i32
          %dma_wait3A_85 = tpu.memref_slice %arg5[%add3A, %dma_wait3A_83, %dma_wait3A_84] : memref<32x100x100xf32, #tpu.memory_space<hbm>> -> memref<1x100x100xf32, #tpu.memory_space<hbm>>
          %dma_wait3A_86 = tpu.memref_squeeze %dma_wait3A_85 : memref<1x100x100xf32, #tpu.memory_space<hbm>> -> memref<100x100xf32, #tpu.memory_space<hbm>>
          %dma_wait3A_87 = arith.constant 0 : i32
          %dma_wait3A_88 = tpu.memref_slice %dma_wait3A_86[%add3A_57, %dma_wait3A_87] : memref<100x100xf32, #tpu.memory_space<hbm>> -> memref<1x100xf32, #tpu.memory_space<hbm>>
          %dma_wait3A_89 = tpu.memref_squeeze %dma_wait3A_88 : memref<1x100xf32, #tpu.memory_space<hbm>> -> memref<100xf32, #tpu.memory_space<hbm>>
          tpu.wait_dma2 semaphore(%run_scoped3A_61 : memref<!tpu.dma_semaphore, #tpu.memory_space<semaphore_mem>>) src(%dma_wait3A_89 : memref<100xf32, #tpu.memory_space<hbm>>) dst(%arg12 : memref<100xf32, #tpu.memory_space<vmem>>)
          tpu.yield
        }) : () -> ()
        %dma_start3A_58 = arith.constant 0 : i32
        %dma_start3A_59 = arith.constant 0 : i32
        %dma_start3A_60 = tpu.memref_slice %arg2[%dma_start3A_58, %dma_start3A_59] : memref<10000x128xf32, #tpu.memory_space<hbm>> -> memref<10000x128xf32, #tpu.memory_space<hbm>>
        tpu.enqueue_indirect_dma source(%dma_start3A_60 : memref<10000x128xf32, #tpu.memory_space<hbm>>) target(%arg14 : memref<100x128xf32, #tpu.memory_space<vmem>>) offsets(%arg8 : memref<100xi32, #tpu.memory_space<vmem>>) semaphore(%arg17 : memref<!tpu.dma_semaphore, #tpu.memory_space<semaphore_mem>>)
      } else {
      }
      %add3A_41 = arith.constant 1 : i32
      %add3A_42 = arith.addi %mul3A_29, %add3A_41 : i32
      %dma_wait3A_43 = arith.constant 0 : i32
      %dma_wait3A_44 = arith.constant 0 : i32
      %dma_wait3A_45 = tpu.memref_slice %arg2[%dma_wait3A_43, %dma_wait3A_44] : memref<10000x128xf32, #tpu.memory_space<hbm>> -> memref<10000x128xf32, #tpu.memory_space<hbm>>
      tpu.wait_indirect_dma semaphore(%arg18 : memref<!tpu.dma_semaphore, #tpu.memory_space<semaphore_mem>>) src(%dma_wait3A_45 : memref<10000x128xf32, #tpu.memory_space<hbm>>) dst(%arg15 : memref<100x128xf32, #tpu.memory_space<vmem>>)
      %scan3A_46 = arith.constant 0 : i32
      %scan3A_47 = arith.constant 100 : i32
      %scan3A_48 = arith.addi %scan3A_46, %scan3A_47 : i32
      %scan3A_49 = arith.constant 1 : i32
      scf.for %scan3A_56 = %scan3A_46 to %scan3A_48 step %scan3A_49  : i32 {
        %mul3A_57 = arith.constant 1 : i32
        %mul3A_58 = arith.muli %scan3A_56, %mul3A_57 : i32
        %add3A_59 = arith.constant 0 : i32
        %add3A_60 = arith.addi %add3A_59, %mul3A_58 : i32
        %broadcast_in_dim3A = vector.broadcast %add3A_60 : i32 to vector<16xi32>
        %gather3A = tpu.vector_load_idx %arg13[%broadcast_in_dim3A] : memref<100xf32, #tpu.memory_space<vmem>>[vector<16xi32>], vector<16xf32>,
        %get3A = arith.index_cast %add3A_60 : i32 to index
        %get3A_61 = arith.constant 0 : index
        %get3A_62 = tpu.vector_load %arg15[%get3A, %get3A_61] {strides = array<i32>} : memref<100x128xf32, #tpu.memory_space<vmem>>, vector<16xf32>,
        %mul3A_63 = arith.mulf %get3A_62, %gather3A : vector<16xf32>
        %swap3A = arith.index_cast %add3A_60 : i32 to index
        %swap3A_64 = arith.constant 0 : index
        %swap3A_65 = tpu.vector_load %arg16[%swap3A, %swap3A_64] {strides = array<i32>} : memref<100x128xf32, #tpu.memory_space<vmem>>, vector<16xf32>,
        tpu.vector_store %arg16[%swap3A, %swap3A_64], %mul3A_63 {strides = array<i32>} : memref<100x128xf32, #tpu.memory_space<vmem>>, vector<16xf32>,
        %get3A_66 = arith.index_cast %add3A_60 : i32 to index
        %get3A_67 = arith.constant 16 : index
        %get3A_68 = tpu.vector_load %arg15[%get3A_66, %get3A_67] {strides = array<i32>} : memref<100x128xf32, #tpu.memory_space<vmem>>, vector<16xf32>,
        %mul3A_69 = arith.mulf %get3A_68, %gather3A : vector<16xf32>
        %swap3A_70 = arith.index_cast %add3A_60 : i32 to index
        %swap3A_71 = arith.constant 16 : index
        %swap3A_72 = tpu.vector_load %arg16[%swap3A_70, %swap3A_71] {strides = array<i32>} : memref<100x128xf32, #tpu.memory_space<vmem>>, vector<16xf32>,
        tpu.vector_store %arg16[%swap3A_70, %swap3A_71], %mul3A_69 {strides = array<i32>} : memref<100x128xf32, #tpu.memory_space<vmem>>, vector<16xf32>,
        %get3A_73 = arith.index_cast %add3A_60 : i32 to index
        %get3A_74 = arith.constant 32 : index
        %get3A_75 = tpu.vector_load %arg15[%get3A_73, %get3A_74] {strides = array<i32>} : memref<100x128xf32, #tpu.memory_space<vmem>>, vector<16xf32>,
        %mul3A_76 = arith.mulf %get3A_75, %gather3A : vector<16xf32>
        %swap3A_77 = arith.index_cast %add3A_60 : i32 to index
        %swap3A_78 = arith.constant 32 : index
        %swap3A_79 = tpu.vector_load %arg16[%swap3A_77, %swap3A_78] {strides = array<i32>} : memref<100x128xf32, #tpu.memory_space<vmem>>, vector<16xf32>,
        tpu.vector_store %arg16[%swap3A_77, %swap3A_78], %mul3A_76 {strides = array<i32>} : memref<100x128xf32, #tpu.memory_space<vmem>>, vector<16xf32>,
        %get3A_80 = arith.index_cast %add3A_60 : i32 to index
        %get3A_81 = arith.constant 48 : index
        %get3A_82 = tpu.vector_load %arg15[%get3A_80, %get3A_81] {strides = array<i32>} : memref<100x128xf32, #tpu.memory_space<vmem>>, vector<16xf32>,
        %mul3A_83 = arith.mulf %get3A_82, %gather3A : vector<16xf32>
        %swap3A_84 = arith.index_cast %add3A_60 : i32 to index
        %swap3A_85 = arith.constant 48 : index
        %swap3A_86 = tpu.vector_load %arg16[%swap3A_84, %swap3A_85] {strides = array<i32>} : memref<100x128xf32, #tpu.memory_space<vmem>>, vector<16xf32>,
        tpu.vector_store %arg16[%swap3A_84, %swap3A_85], %mul3A_83 {strides = array<i32>} : memref<100x128xf32, #tpu.memory_space<vmem>>, vector<16xf32>,
        %get3A_87 = arith.index_cast %add3A_60 : i32 to index
        %get3A_88 = arith.constant 64 : index
        %get3A_89 = tpu.vector_load %arg15[%get3A_87, %get3A_88] {strides = array<i32>} : memref<100x128xf32, #tpu.memory_space<vmem>>, vector<16xf32>,
        %mul3A_90 = arith.mulf %get3A_89, %gather3A : vector<16xf32>
        %swap3A_91 = arith.index_cast %add3A_60 : i32 to index
        %swap3A_92 = arith.constant 64 : index
        %swap3A_93 = tpu.vector_load %arg16[%swap3A_91, %swap3A_92] {strides = array<i32>} : memref<100x128xf32, #tpu.memory_space<vmem>>, vector<16xf32>,
        tpu.vector_store %arg16[%swap3A_91, %swap3A_92], %mul3A_90 {strides = array<i32>} : memref<100x128xf32, #tpu.memory_space<vmem>>, vector<16xf32>,
        %get3A_94 = arith.index_cast %add3A_60 : i32 to index
        %get3A_95 = arith.constant 80 : index
        %get3A_96 = tpu.vector_load %arg15[%get3A_94, %get3A_95] {strides = array<i32>} : memref<100x128xf32, #tpu.memory_space<vmem>>, vector<16xf32>,
        %mul3A_97 = arith.mulf %get3A_96, %gather3A : vector<16xf32>
        %swap3A_98 = arith.index_cast %add3A_60 : i32 to index
        %swap3A_99 = arith.constant 80 : index
        %swap3A_100 = tpu.vector_load %arg16[%swap3A_98, %swap3A_99] {strides = array<i32>} : memref<100x128xf32, #tpu.memory_space<vmem>>, vector<16xf32>,
        tpu.vector_store %arg16[%swap3A_98, %swap3A_99], %mul3A_97 {strides = array<i32>} : memref<100x128xf32, #tpu.memory_space<vmem>>, vector<16xf32>,
        %get3A_101 = arith.index_cast %add3A_60 : i32 to index
        %get3A_102 = arith.constant 96 : index
        %get3A_103 = tpu.vector_load %arg15[%get3A_101, %get3A_102] {strides = array<i32>} : memref<100x128xf32, #tpu.memory_space<vmem>>, vector<16xf32>,
        %mul3A_104 = arith.mulf %get3A_103, %gather3A : vector<16xf32>
        %swap3A_105 = arith.index_cast %add3A_60 : i32 to index
        %swap3A_106 = arith.constant 96 : index
        %swap3A_107 = tpu.vector_load %arg16[%swap3A_105, %swap3A_106] {strides = array<i32>} : memref<100x128xf32, #tpu.memory_space<vmem>>, vector<16xf32>,
        tpu.vector_store %arg16[%swap3A_105, %swap3A_106], %mul3A_104 {strides = array<i32>} : memref<100x128xf32, #tpu.memory_space<vmem>>, vector<16xf32>,
        %get3A_108 = arith.index_cast %add3A_60 : i32 to index
        %get3A_109 = arith.constant 112 : index
        %get3A_110 = tpu.vector_load %arg15[%get3A_108, %get3A_109] {strides = array<i32>} : memref<100x128xf32, #tpu.memory_space<vmem>>, vector<16xf32>,
        %mul3A_111 = arith.mulf %get3A_110, %gather3A : vector<16xf32>
        %swap3A_112 = arith.index_cast %add3A_60 : i32 to index
        %swap3A_113 = arith.constant 112 : index
        %swap3A_114 = tpu.vector_load %arg16[%swap3A_112, %swap3A_113] {strides = array<i32>} : memref<100x128xf32, #tpu.memory_space<vmem>>, vector<16xf32>,
        tpu.vector_store %arg16[%swap3A_112, %swap3A_113], %mul3A_111 {strides = array<i32>} : memref<100x128xf32, #tpu.memory_space<vmem>>, vector<16xf32>,
      }
      %scan3A_50 = arith.constant 100 : i32
      "tpu.region"() ({
        %run_scoped3A_56 = tpu.sem_alloc : memref<!tpu.dma_semaphore, #tpu.memory_space<semaphore_mem>>
        %dma_start3A_57 = arith.constant 0 : i32
        %dma_start3A_58 = arith.constant 0 : i32
        %dma_start3A_59 = tpu.memref_slice %arg19[%dma_start3A_57, %dma_start3A_58] : memref<10000x128xf32, #tpu.memory_space<vmem_shared>> -> memref<10000x128xf32, #tpu.memory_space<vmem_shared>>
        tpu.enqueue_indirect_dma source(%arg16 : memref<100x128xf32, #tpu.memory_space<vmem>>) target(%dma_start3A_59 : memref<10000x128xf32, #tpu.memory_space<vmem_shared>>) offsets(%arg11 : memref<100xi32, #tpu.memory_space<vmem>>) semaphore(%run_scoped3A_56 : memref<!tpu.dma_semaphore, #tpu.memory_space<semaphore_mem>>) {add = true}
        %dma_wait3A_60 = arith.constant 0 : i32
        %dma_wait3A_61 = arith.constant 0 : i32
        %dma_wait3A_62 = tpu.memref_slice %arg19[%dma_wait3A_60, %dma_wait3A_61] : memref<10000x128xf32, #tpu.memory_space<vmem_shared>> -> memref<10000x128xf32, #tpu.memory_space<vmem_shared>>
        tpu.wait_indirect_dma semaphore(%run_scoped3A_56 : memref<!tpu.dma_semaphore, #tpu.memory_space<semaphore_mem>>) src(%arg16 : memref<100x128xf32, #tpu.memory_space<vmem>>) dst(%dma_wait3A_62 : memref<10000x128xf32, #tpu.memory_space<vmem_shared>>)
        tpu.yield
      }) : () -> ()
      %lt3A_51 = arith.constant 49 : i32
      %lt3A_52 = arith.cmpi slt, %add3A_27, %lt3A_51 : i32
      %convert_element_type3A_53 = arith.extui %lt3A_52 : i1 to i32
      %cond3A_54 = arith.constant 0 : i32
      %cond3A_55 = arith.cmpi ne, %convert_element_type3A_53, %cond3A_54 : i32
      scf.if %cond3A_55 {
        %add3A_56 = arith.constant 2 : i32
        %add3A_57 = arith.addi %add3A_42, %add3A_56 : i32
        "tpu.region"() ({
          %run_scoped3A_61 = tpu.sem_alloc : memref<!tpu.dma_semaphore, #tpu.memory_space<semaphore_mem>>
          %dma_start3A_62 = arith.constant 0 : i32
          %dma_start3A_63 = arith.constant 0 : i32
          %dma_start3A_64 = tpu.memref_slice %arg3[%add3A, %dma_start3A_62, %dma_start3A_63] : memref<32x100x100xi32, #tpu.memory_space<hbm>> -> memref<1x100x100xi32, #tpu.memory_space<hbm>>
          %dma_start3A_65 = tpu.memref_squeeze %dma_start3A_64 : memref<1x100x100xi32, #tpu.memory_space<hbm>> -> memref<100x100xi32, #tpu.memory_space<hbm>>
          %dma_start3A_66 = arith.constant 0 : i32
          %dma_start3A_67 = tpu.memref_slice %dma_start3A_65[%add3A_57, %dma_start3A_66] : memref<100x100xi32, #tpu.memory_space<hbm>> -> memref<1x100xi32, #tpu.memory_space<hbm>>
          %dma_start3A_68 = tpu.memref_squeeze %dma_start3A_67 : memref<1x100xi32, #tpu.memory_space<hbm>> -> memref<100xi32, #tpu.memory_space<hbm>>
          %dma_start3A_69 = arith.constant 0 : i32
          %dma_start3A_70 = arith.constant 0 : i32
          %dma_start3A_71 = tpu.memref_slice %arg3[%add3A, %dma_start3A_69, %dma_start3A_70] : memref<32x100x100xi32, #tpu.memory_space<hbm>> -> memref<1x100x100xi32, #tpu.memory_space<hbm>>
          %dma_start3A_72 = tpu.memref_squeeze %dma_start3A_71 : memref<1x100x100xi32, #tpu.memory_space<hbm>> -> memref<100x100xi32, #tpu.memory_space<hbm>>
          %dma_start3A_73 = arith.constant 0 : i32
          %dma_start3A_74 = tpu.memref_slice %dma_start3A_72[%add3A_57, %dma_start3A_73] : memref<100x100xi32, #tpu.memory_space<hbm>> -> memref<1x100xi32, #tpu.memory_space<hbm>>
          %dma_start3A_75 = tpu.memref_squeeze %dma_start3A_74 : memref<1x100xi32, #tpu.memory_space<hbm>> -> memref<100xi32, #tpu.memory_space<hbm>>
          tpu.enqueue_dma source(%dma_start3A_75 : memref<100xi32, #tpu.memory_space<hbm>>) target(%arg9 : memref<100xi32, #tpu.memory_space<vmem>>) target_semaphore(%run_scoped3A_61 : memref<!tpu.dma_semaphore, #tpu.memory_space<semaphore_mem>>)
          %dma_wait3A_76 = arith.constant 0 : i32
          %dma_wait3A_77 = arith.constant 0 : i32
          %dma_wait3A_78 = tpu.memref_slice %arg3[%add3A, %dma_wait3A_76, %dma_wait3A_77] : memref<32x100x100xi32, #tpu.memory_space<hbm>> -> memref<1x100x100xi32, #tpu.memory_space<hbm>>
          %dma_wait3A_79 = tpu.memref_squeeze %dma_wait3A_78 : memref<1x100x100xi32, #tpu.memory_space<hbm>> -> memref<100x100xi32, #tpu.memory_space<hbm>>
          %dma_wait3A_80 = arith.constant 0 : i32
          %dma_wait3A_81 = tpu.memref_slice %dma_wait3A_79[%add3A_57, %dma_wait3A_80] : memref<100x100xi32, #tpu.memory_space<hbm>> -> memref<1x100xi32, #tpu.memory_space<hbm>>
          %dma_wait3A_82 = tpu.memref_squeeze %dma_wait3A_81 : memref<1x100xi32, #tpu.memory_space<hbm>> -> memref<100xi32, #tpu.memory_space<hbm>>
          %dma_wait3A_83 = arith.constant 0 : i32
          %dma_wait3A_84 = arith.constant 0 : i32
          %dma_wait3A_85 = tpu.memref_slice %arg3[%add3A, %dma_wait3A_83, %dma_wait3A_84] : memref<32x100x100xi32, #tpu.memory_space<hbm>> -> memref<1x100x100xi32, #tpu.memory_space<hbm>>
          %dma_wait3A_86 = tpu.memref_squeeze %dma_wait3A_85 : memref<1x100x100xi32, #tpu.memory_space<hbm>> -> memref<100x100xi32, #tpu.memory_space<hbm>>
          %dma_wait3A_87 = arith.constant 0 : i32
          %dma_wait3A_88 = tpu.memref_slice %dma_wait3A_86[%add3A_57, %dma_wait3A_87] : memref<100x100xi32, #tpu.memory_space<hbm>> -> memref<1x100xi32, #tpu.memory_space<hbm>>
          %dma_wait3A_89 = tpu.memref_squeeze %dma_wait3A_88 : memref<1x100xi32, #tpu.memory_space<hbm>> -> memref<100xi32, #tpu.memory_space<hbm>>
          tpu.wait_dma2 semaphore(%run_scoped3A_61 : memref<!tpu.dma_semaphore, #tpu.memory_space<semaphore_mem>>) src(%dma_wait3A_89 : memref<100xi32, #tpu.memory_space<hbm>>) dst(%arg9 : memref<100xi32, #tpu.memory_space<vmem>>)
          tpu.yield
        }) : () -> ()
        "tpu.region"() ({
          %run_scoped3A_61 = tpu.sem_alloc : memref<!tpu.dma_semaphore, #tpu.memory_space<semaphore_mem>>
          %dma_start3A_62 = arith.constant 0 : i32
          %dma_start3A_63 = arith.constant 0 : i32
          %dma_start3A_64 = tpu.memref_slice %arg4[%add3A, %dma_start3A_62, %dma_start3A_63] : memref<32x100x100xi32, #tpu.memory_space<hbm>> -> memref<1x100x100xi32, #tpu.memory_space<hbm>>
          %dma_start3A_65 = tpu.memref_squeeze %dma_start3A_64 : memref<1x100x100xi32, #tpu.memory_space<hbm>> -> memref<100x100xi32, #tpu.memory_space<hbm>>
          %dma_start3A_66 = arith.constant 0 : i32
          %dma_start3A_67 = tpu.memref_slice %dma_start3A_65[%add3A_57, %dma_start3A_66] : memref<100x100xi32, #tpu.memory_space<hbm>> -> memref<1x100xi32, #tpu.memory_space<hbm>>
          %dma_start3A_68 = tpu.memref_squeeze %dma_start3A_67 : memref<1x100xi32, #tpu.memory_space<hbm>> -> memref<100xi32, #tpu.memory_space<hbm>>
          %dma_start3A_69 = arith.constant 0 : i32
          %dma_start3A_70 = arith.constant 0 : i32
          %dma_start3A_71 = tpu.memref_slice %arg4[%add3A, %dma_start3A_69, %dma_start3A_70] : memref<32x100x100xi32, #tpu.memory_space<hbm>> -> memref<1x100x100xi32, #tpu.memory_space<hbm>>
          %dma_start3A_72 = tpu.memref_squeeze %dma_start3A_71 : memref<1x100x100xi32, #tpu.memory_space<hbm>> -> memref<100x100xi32, #tpu.memory_space<hbm>>
          %dma_start3A_73 = arith.constant 0 : i32
          %dma_start3A_74 = tpu.memref_slice %dma_start3A_72[%add3A_57, %dma_start3A_73] : memref<100x100xi32, #tpu.memory_space<hbm>> -> memref<1x100xi32, #tpu.memory_space<hbm>>
          %dma_start3A_75 = tpu.memref_squeeze %dma_start3A_74 : memref<1x100xi32, #tpu.memory_space<hbm>> -> memref<100xi32, #tpu.memory_space<hbm>>
          tpu.enqueue_dma source(%dma_start3A_75 : memref<100xi32, #tpu.memory_space<hbm>>) target(%arg11 : memref<100xi32, #tpu.memory_space<vmem>>) target_semaphore(%run_scoped3A_61 : memref<!tpu.dma_semaphore, #tpu.memory_space<semaphore_mem>>)
          %dma_wait3A_76 = arith.constant 0 : i32
          %dma_wait3A_77 = arith.constant 0 : i32
          %dma_wait3A_78 = tpu.memref_slice %arg4[%add3A, %dma_wait3A_76, %dma_wait3A_77] : memref<32x100x100xi32, #tpu.memory_space<hbm>> -> memref<1x100x100xi32, #tpu.memory_space<hbm>>
          %dma_wait3A_79 = tpu.memref_squeeze %dma_wait3A_78 : memref<1x100x100xi32, #tpu.memory_space<hbm>> -> memref<100x100xi32, #tpu.memory_space<hbm>>
          %dma_wait3A_80 = arith.constant 0 : i32
          %dma_wait3A_81 = tpu.memref_slice %dma_wait3A_79[%add3A_57, %dma_wait3A_80] : memref<100x100xi32, #tpu.memory_space<hbm>> -> memref<1x100xi32, #tpu.memory_space<hbm>>
          %dma_wait3A_82 = tpu.memref_squeeze %dma_wait3A_81 : memref<1x100xi32, #tpu.memory_space<hbm>> -> memref<100xi32, #tpu.memory_space<hbm>>
          %dma_wait3A_83 = arith.constant 0 : i32
          %dma_wait3A_84 = arith.constant 0 : i32
          %dma_wait3A_85 = tpu.memref_slice %arg4[%add3A, %dma_wait3A_83, %dma_wait3A_84] : memref<32x100x100xi32, #tpu.memory_space<hbm>> -> memref<1x100x100xi32, #tpu.memory_space<hbm>>
          %dma_wait3A_86 = tpu.memref_squeeze %dma_wait3A_85 : memref<1x100x100xi32, #tpu.memory_space<hbm>> -> memref<100x100xi32, #tpu.memory_space<hbm>>
          %dma_wait3A_87 = arith.constant 0 : i32
          %dma_wait3A_88 = tpu.memref_slice %dma_wait3A_86[%add3A_57, %dma_wait3A_87] : memref<100x100xi32, #tpu.memory_space<hbm>> -> memref<1x100xi32, #tpu.memory_space<hbm>>
          %dma_wait3A_89 = tpu.memref_squeeze %dma_wait3A_88 : memref<1x100xi32, #tpu.memory_space<hbm>> -> memref<100xi32, #tpu.memory_space<hbm>>
          tpu.wait_dma2 semaphore(%run_scoped3A_61 : memref<!tpu.dma_semaphore, #tpu.memory_space<semaphore_mem>>) src(%dma_wait3A_89 : memref<100xi32, #tpu.memory_space<hbm>>) dst(%arg11 : memref<100xi32, #tpu.memory_space<vmem>>)
          tpu.yield
        }) : () -> ()
        "tpu.region"() ({
          %run_scoped3A_61 = tpu.sem_alloc : memref<!tpu.dma_semaphore, #tpu.memory_space<semaphore_mem>>
          %dma_start3A_62 = arith.constant 0 : i32
          %dma_start3A_63 = arith.constant 0 : i32
          %dma_start3A_64 = tpu.memref_slice %arg5[%add3A, %dma_start3A_62, %dma_start3A_63] : memref<32x100x100xf32, #tpu.memory_space<hbm>> -> memref<1x100x100xf32, #tpu.memory_space<hbm>>
          %dma_start3A_65 = tpu.memref_squeeze %dma_start3A_64 : memref<1x100x100xf32, #tpu.memory_space<hbm>> -> memref<100x100xf32, #tpu.memory_space<hbm>>
          %dma_start3A_66 = arith.constant 0 : i32
          %dma_start3A_67 = tpu.memref_slice %dma_start3A_65[%add3A_57, %dma_start3A_66] : memref<100x100xf32, #tpu.memory_space<hbm>> -> memref<1x100xf32, #tpu.memory_space<hbm>>
          %dma_start3A_68 = tpu.memref_squeeze %dma_start3A_67 : memref<1x100xf32, #tpu.memory_space<hbm>> -> memref<100xf32, #tpu.memory_space<hbm>>
          %dma_start3A_69 = arith.constant 0 : i32
          %dma_start3A_70 = arith.constant 0 : i32
          %dma_start3A_71 = tpu.memref_slice %arg5[%add3A, %dma_start3A_69, %dma_start3A_70] : memref<32x100x100xf32, #tpu.memory_space<hbm>> -> memref<1x100x100xf32, #tpu.memory_space<hbm>>
          %dma_start3A_72 = tpu.memref_squeeze %dma_start3A_71 : memref<1x100x100xf32, #tpu.memory_space<hbm>> -> memref<100x100xf32, #tpu.memory_space<hbm>>
          %dma_start3A_73 = arith.constant 0 : i32
          %dma_start3A_74 = tpu.memref_slice %dma_start3A_72[%add3A_57, %dma_start3A_73] : memref<100x100xf32, #tpu.memory_space<hbm>> -> memref<1x100xf32, #tpu.memory_space<hbm>>
          %dma_start3A_75 = tpu.memref_squeeze %dma_start3A_74 : memref<1x100xf32, #tpu.memory_space<hbm>> -> memref<100xf32, #tpu.memory_space<hbm>>
          tpu.enqueue_dma source(%dma_start3A_75 : memref<100xf32, #tpu.memory_space<hbm>>) target(%arg13 : memref<100xf32, #tpu.memory_space<vmem>>) target_semaphore(%run_scoped3A_61 : memref<!tpu.dma_semaphore, #tpu.memory_space<semaphore_mem>>)
          %dma_wait3A_76 = arith.constant 0 : i32
          %dma_wait3A_77 = arith.constant 0 : i32
          %dma_wait3A_78 = tpu.memref_slice %arg5[%add3A, %dma_wait3A_76, %dma_wait3A_77] : memref<32x100x100xf32, #tpu.memory_space<hbm>> -> memref<1x100x100xf32, #tpu.memory_space<hbm>>
          %dma_wait3A_79 = tpu.memref_squeeze %dma_wait3A_78 : memref<1x100x100xf32, #tpu.memory_space<hbm>> -> memref<100x100xf32, #tpu.memory_space<hbm>>
          %dma_wait3A_80 = arith.constant 0 : i32
          %dma_wait3A_81 = tpu.memref_slice %dma_wait3A_79[%add3A_57, %dma_wait3A_80] : memref<100x100xf32, #tpu.memory_space<hbm>> -> memref<1x100xf32, #tpu.memory_space<hbm>>
          %dma_wait3A_82 = tpu.memref_squeeze %dma_wait3A_81 : memref<1x100xf32, #tpu.memory_space<hbm>> -> memref<100xf32, #tpu.memory_space<hbm>>
          %dma_wait3A_83 = arith.constant 0 : i32
          %dma_wait3A_84 = arith.constant 0 : i32
          %dma_wait3A_85 = tpu.memref_slice %arg5[%add3A, %dma_wait3A_83, %dma_wait3A_84] : memref<32x100x100xf32, #tpu.memory_space<hbm>> -> memref<1x100x100xf32, #tpu.memory_space<hbm>>
          %dma_wait3A_86 = tpu.memref_squeeze %dma_wait3A_85 : memref<1x100x100xf32, #tpu.memory_space<hbm>> -> memref<100x100xf32, #tpu.memory_space<hbm>>
          %dma_wait3A_87 = arith.constant 0 : i32
          %dma_wait3A_88 = tpu.memref_slice %dma_wait3A_86[%add3A_57, %dma_wait3A_87] : memref<100x100xf32, #tpu.memory_space<hbm>> -> memref<1x100xf32, #tpu.memory_space<hbm>>
          %dma_wait3A_89 = tpu.memref_squeeze %dma_wait3A_88 : memref<1x100xf32, #tpu.memory_space<hbm>> -> memref<100xf32, #tpu.memory_space<hbm>>
          tpu.wait_dma2 semaphore(%run_scoped3A_61 : memref<!tpu.dma_semaphore, #tpu.memory_space<semaphore_mem>>) src(%dma_wait3A_89 : memref<100xf32, #tpu.memory_space<hbm>>) dst(%arg13 : memref<100xf32, #tpu.memory_space<vmem>>)
          tpu.yield
        }) : () -> ()
        %dma_start3A_58 = arith.constant 0 : i32
        %dma_start3A_59 = arith.constant 0 : i32
        %dma_start3A_60 = tpu.memref_slice %arg2[%dma_start3A_58, %dma_start3A_59] : memref<10000x128xf32, #tpu.memory_space<hbm>> -> memref<10000x128xf32, #tpu.memory_space<hbm>>
        tpu.enqueue_indirect_dma source(%dma_start3A_60 : memref<10000x128xf32, #tpu.memory_space<hbm>>) target(%arg15 : memref<100x128xf32, #tpu.memory_space<vmem>>) offsets(%arg9 : memref<100xi32, #tpu.memory_space<vmem>>) semaphore(%arg18 : memref<!tpu.dma_semaphore, #tpu.memory_space<semaphore_mem>>)
      } else {
      }
    }
    %scan3A_16 = arith.constant 50 : i32
    %barrier3A_17 = arith.constant 0 : index
    tpu.barrier barrier_id(%barrier3A_17)
    %eq3A_18 = arith.constant 0 : i32
    %eq3A_19 = arith.cmpi eq, %arg1, %eq3A_18 : i32
    %convert_element_type3A_20 = arith.extui %eq3A_19 : i1 to i32
    %cond3A_21 = arith.constant 0 : i32
    %cond3A_22 = arith.cmpi ne, %convert_element_type3A_20, %cond3A_21 : i32
    scf.if %cond3A_22 {
      "tpu.region"() ({
        %run_scoped3A_23 = tpu.sem_alloc : memref<!tpu.dma_semaphore, #tpu.memory_space<semaphore_mem>>
        %dma_start3A_24 = arith.constant 0 : i32
        %dma_start3A_25 = arith.constant 0 : i32
        %dma_start3A_26 = tpu.memref_slice %arg7[%arg0, %dma_start3A_24, %dma_start3A_25] : memref<2x10000x128xf32, #tpu.memory_space<hbm>> -> memref<1x10000x128xf32, #tpu.memory_space<hbm>>
        %dma_start3A_27 = tpu.memref_squeeze %dma_start3A_26 : memref<1x10000x128xf32, #tpu.memory_space<hbm>> -> memref<10000x128xf32, #tpu.memory_space<hbm>>
        tpu.enqueue_dma source(%arg19 : memref<10000x128xf32, #tpu.memory_space<vmem_shared>>) target(%dma_start3A_27 : memref<10000x128xf32, #tpu.memory_space<hbm>>) target_semaphore(%run_scoped3A_23 : memref<!tpu.dma_semaphore, #tpu.memory_space<semaphore_mem>>)
        %dma_wait3A = arith.constant 0 : i32
        %dma_wait3A_28 = arith.constant 0 : i32
        %dma_wait3A_29 = tpu.memref_slice %arg7[%arg0, %dma_wait3A, %dma_wait3A_28] : memref<2x10000x128xf32, #tpu.memory_space<hbm>> -> memref<1x10000x128xf32, #tpu.memory_space<hbm>>
        %dma_wait3A_30 = tpu.memref_squeeze %dma_wait3A_29 : memref<1x10000x128xf32, #tpu.memory_space<hbm>> -> memref<10000x128xf32, #tpu.memory_space<hbm>>
        tpu.wait_dma2 semaphore(%run_scoped3A_23 : memref<!tpu.dma_semaphore, #tpu.memory_space<semaphore_mem>>) src(%arg19 : memref<10000x128xf32, #tpu.memory_space<vmem_shared>>) dst(%dma_wait3A_30 : memref<10000x128xf32, #tpu.memory_space<hbm>>)
        tpu.yield
      }) : () -> ()
    } else {
    }
    return
  }
}

module attributes {stable_mosaic.version = 14 : i64} {
  func.func @_tc_lin_body(%arg0: i32, %arg1: memref<512x128xf32, #tpu.memory_space<vmem>>, %arg2: memref<128x128xf32, #tpu.memory_space<vmem>>, %arg3: memref<2x512xf32, #tpu.memory_space<vmem>>, %arg4: memref<512x128xf32, #tpu.memory_space<vmem>>) attributes {dimension_semantics = [#tpu.dimension_semantics<arbitrary>], iteration_bounds = array<i64: 20>, scalar_prefetch = 0 : i64, scratch_operands = 0 : i64, tpu.core_type = #tpu.core_type<tc>, window_params = [{transform_indices = @transform_0, window_bounds = array<i64: 512, 128>}, {pipeline_mode = #tpu.pipeline_mode<synchronous>, transform_indices = @transform_1, window_bounds = array<i64: 128, 128>}, {transform_indices = @transform_2, window_bounds = array<i64: 2, 512>}, {transform_indices = @transform_3, window_bounds = array<i64: 512, 128>}]} {
    %get3A = arith.constant 0 : index
    %get3A_0 = arith.constant 0 : index
    %get3A_1 = vector.load %arg3[%get3A, %get3A_0] : memref<2x512xf32, #tpu.memory_space<vmem>>, vector<1x512xf32>
    %get3A_2 = vector.shape_cast %get3A_1 : vector<1x512xf32> to vector<512xf32>
    %get3A_3 = arith.constant 1 : index
    %get3A_4 = arith.constant 0 : index
    %get3A_5 = vector.load %arg3[%get3A_3, %get3A_4] : memref<2x512xf32, #tpu.memory_space<vmem>>, vector<1x512xf32>
    %get3A_6 = vector.shape_cast %get3A_5 : vector<1x512xf32> to vector<512xf32>
    %add3A = arith.addf %get3A_2, %get3A_6 : vector<512xf32>
    %add3A_7 = arith.constant 2.000000e+00 : f32
    %add3A_8 = vector.broadcast %add3A_7 : f32 to vector<512xf32>
    %add3A_9 = arith.addf %add3A, %add3A_8 : vector<512xf32>
    %rsqrt3A = math.rsqrt %add3A_9 : vector<512xf32>
    %get3A_10 = arith.constant 0 : index
    %get3A_11 = arith.constant 0 : index
    %get3A_12 = vector.load %arg1[%get3A_10, %get3A_11] : memref<512x128xf32, #tpu.memory_space<vmem>>, vector<512x128xf32>
    %get3A_13 = arith.constant 0 : index
    %get3A_14 = arith.constant 0 : index
    %get3A_15 = vector.load %arg2[%get3A_13, %get3A_14] : memref<128x128xf32, #tpu.memory_space<vmem>>, vector<128x128xf32>
    %dot_general3A = arith.constant dense<0.000000e+00> : vector<512x128xf32>
    %dot_general3A_16 = tpu.matmul %get3A_12, %get3A_15, %dot_general3A {dimension_numbers = #tpu.dot_dimension_numbers<[1], [0], [0], [1], [0, 0, 1, 1], [], []>, transpose_lhs_hint = false} : vector<512x128xf32>, vector<128x128xf32>, vector<512x128xf32> -> vector<512x128xf32>
    %broadcast_in_dim3A = vector.shape_cast %rsqrt3A : vector<512xf32> to vector<512x1xf32>
    %mul3A = vector.broadcast %broadcast_in_dim3A : vector<512x1xf32> to vector<512x128xf32>
    %mul3A_17 = arith.mulf %dot_general3A_16, %mul3A : vector<512x128xf32>
    %swap3A = arith.constant 0 : index
    %swap3A_18 = arith.constant 0 : index
    %swap3A_19 = vector.load %arg4[%swap3A, %swap3A_18] : memref<512x128xf32, #tpu.memory_space<vmem>>, vector<512x128xf32>
    tpu.vector_store %arg4[%swap3A, %swap3A_18], %mul3A_17 {strides = array<i32>} : memref<512x128xf32, #tpu.memory_space<vmem>>, vector<512x128xf32>,
    return
  }
  func.func @transform_0(%arg0: i32) -> (i32, i32) {
    %c0_i32 = arith.constant 0 : i32
    %c0_i32_0 = arith.constant 0 : i32
    return %arg0, %c0_i32 : i32, i32
  }
  func.func @transform_1(%arg0: i32) -> (i32, i32) {
    %c0_i32 = arith.constant 0 : i32
    %c0_i32_0 = arith.constant 0 : i32
    %c0_i32_1 = arith.constant 0 : i32
    return %c0_i32, %c0_i32_0 : i32, i32
  }
  func.func @transform_2(%arg0: i32) -> (i32, i32) {
    %c0_i32 = arith.constant 0 : i32
    %c0_i32_0 = arith.constant 0 : i32
    return %c0_i32, %arg0 : i32, i32
  }
  func.func @transform_3(%arg0: i32) -> (i32, i32) {
    %c0_i32 = arith.constant 0 : i32
    %c0_i32_0 = arith.constant 0 : i32
    return %arg0, %c0_i32 : i32, i32
  }
}

module attributes {stable_mosaic.version = 14 : i64} {
  func.func @_tc_comb_body(%arg0: i32, %arg1: memref<2x512x128xf32, #tpu.memory_space<vmem>>, %arg2: memref<512x128xf32, #tpu.memory_space<vmem>>, %arg3: memref<2x512xf32, #tpu.memory_space<vmem>>, %arg4: memref<1x128xf32, #tpu.memory_space<vmem>>, %arg5: memref<512x128xf32, #tpu.memory_space<vmem>>) attributes {dimension_semantics = [#tpu.dimension_semantics<arbitrary>], iteration_bounds = array<i64: 20>, scalar_prefetch = 0 : i64, scratch_operands = 0 : i64, tpu.core_type = #tpu.core_type<tc>, window_params = [{transform_indices = @transform_0, window_bounds = array<i64: 2, 512, 128>}, {transform_indices = @transform_1, window_bounds = array<i64: 512, 128>}, {transform_indices = @transform_2, window_bounds = array<i64: 2, 512>}, {pipeline_mode = #tpu.pipeline_mode<synchronous>, transform_indices = @transform_3, window_bounds = array<i64: 1, 128>}, {transform_indices = @transform_4, window_bounds = array<i64: 512, 128>}]} {
    %get3A = arith.constant 0 : index
    %get3A_0 = arith.constant 0 : index
    %get3A_1 = vector.load %arg3[%get3A, %get3A_0] : memref<2x512xf32, #tpu.memory_space<vmem>>, vector<1x512xf32>
    %get3A_2 = vector.shape_cast %get3A_1 : vector<1x512xf32> to vector<512xf32>
    %get3A_3 = arith.constant 1 : index
    %get3A_4 = arith.constant 0 : index
    %get3A_5 = vector.load %arg3[%get3A_3, %get3A_4] : memref<2x512xf32, #tpu.memory_space<vmem>>, vector<1x512xf32>
    %get3A_6 = vector.shape_cast %get3A_5 : vector<1x512xf32> to vector<512xf32>
    %add3A = arith.addf %get3A_2, %get3A_6 : vector<512xf32>
    %add3A_7 = arith.constant 2.000000e+00 : f32
    %add3A_8 = vector.broadcast %add3A_7 : f32 to vector<512xf32>
    %add3A_9 = arith.addf %add3A, %add3A_8 : vector<512xf32>
    %rsqrt3A = math.rsqrt %add3A_9 : vector<512xf32>
    %get3A_10 = arith.constant 0 : index
    %get3A_11 = arith.constant 0 : index
    %get3A_12 = arith.constant 0 : index
    %get3A_13 = vector.load %arg1[%get3A_10, %get3A_11, %get3A_12] : memref<2x512x128xf32, #tpu.memory_space<vmem>>, vector<1x512x128xf32>
    %get3A_14 = vector.shape_cast %get3A_13 : vector<1x512x128xf32> to vector<512x128xf32>
    %get3A_15 = arith.constant 1 : index
    %get3A_16 = arith.constant 0 : index
    %get3A_17 = arith.constant 0 : index
    %get3A_18 = vector.load %arg1[%get3A_15, %get3A_16, %get3A_17] : memref<2x512x128xf32, #tpu.memory_space<vmem>>, vector<1x512x128xf32>
    %get3A_19 = vector.shape_cast %get3A_18 : vector<1x512x128xf32> to vector<512x128xf32>
    %add3A_20 = arith.addf %get3A_14, %get3A_19 : vector<512x128xf32>
    %get3A_21 = arith.constant 0 : index
    %get3A_22 = arith.constant 0 : index
    %get3A_23 = vector.load %arg2[%get3A_21, %get3A_22] : memref<512x128xf32, #tpu.memory_space<vmem>>, vector<512x128xf32>
    %mul3A = arith.constant 2.000000e+00 : f32
    %mul3A_24 = vector.broadcast %mul3A : f32 to vector<512x128xf32>
    %mul3A_25 = arith.mulf %mul3A_24, %get3A_23 : vector<512x128xf32>
    %add3A_26 = arith.addf %add3A_20, %mul3A_25 : vector<512x128xf32>
    %broadcast_in_dim3A = vector.shape_cast %rsqrt3A : vector<512xf32> to vector<512x1xf32>
    %mul3A_27 = vector.broadcast %broadcast_in_dim3A : vector<512x1xf32> to vector<512x128xf32>
    %mul3A_28 = arith.mulf %add3A_26, %mul3A_27 : vector<512x128xf32>
    %get3A_29 = arith.constant 0 : index
    %get3A_30 = arith.constant 0 : index
    %get3A_31 = vector.load %arg4[%get3A_29, %get3A_30] : memref<1x128xf32, #tpu.memory_space<vmem>>, vector<1x128xf32>
    %add3A_32 = vector.broadcast %get3A_31 : vector<1x128xf32> to vector<512x128xf32>
    %add3A_33 = arith.addf %mul3A_28, %add3A_32 : vector<512x128xf32>
    %swap3A = arith.constant 0 : index
    %swap3A_34 = arith.constant 0 : index
    %swap3A_35 = vector.load %arg5[%swap3A, %swap3A_34] : memref<512x128xf32, #tpu.memory_space<vmem>>, vector<512x128xf32>
    tpu.vector_store %arg5[%swap3A, %swap3A_34], %add3A_33 {strides = array<i32>} : memref<512x128xf32, #tpu.memory_space<vmem>>, vector<512x128xf32>,
    return
  }
  func.func @transform_0(%arg0: i32) -> (i32, i32, i32) {
    %c0_i32 = arith.constant 0 : i32
    %c0_i32_0 = arith.constant 0 : i32
    %c0_i32_1 = arith.constant 0 : i32
    return %c0_i32, %arg0, %c0_i32_0 : i32, i32, i32
  }
  func.func @transform_1(%arg0: i32) -> (i32, i32) {
    %c0_i32 = arith.constant 0 : i32
    %c0_i32_0 = arith.constant 0 : i32
    return %arg0, %c0_i32 : i32, i32
  }
  func.func @transform_2(%arg0: i32) -> (i32, i32) {
    %c0_i32 = arith.constant 0 : i32
    %c0_i32_0 = arith.constant 0 : i32
    return %c0_i32, %arg0 : i32, i32
  }
  func.func @transform_3(%arg0: i32) -> (i32, i32) {
    %c0_i32 = arith.constant 0 : i32
    %c0_i32_0 = arith.constant 0 : i32
    %c0_i32_1 = arith.constant 0 : i32
    return %c0_i32, %c0_i32_0 : i32, i32
  }
  func.func @transform_4(%arg0: i32) -> (i32, i32) {
    %c0_i32 = arith.constant 0 : i32
    %c0_i32_0 = arith.constant 0 : i32
    return %arg0, %c0_i32 : i32, i32
  }
}

</mosaic_0001>

<sc_bundles>
// kernel: kernel.6.cloned.1.call-start
scs
__scs_entry_jumppad:
0x0: {  	(pc) =	sbr.rel $0x88, $3  }
0x1: {  	(tag) =	ssettag $0x0;
	lr =	simm.s32 $0x1  }
0x2: {  	[smem:$0x3F9C] =	sst lr;
	_ =	strace $0xD0000000  }
0x3: {  	_ = 	snop  }
0x4: {  	_ = 	snop  }
0x5: {  	_ = 	snop  }
0x6: {  	_ = 	snop  }
0x7: {  	_ = 	snop  }
__scs_overlays_trampoline_lowered:
0x8: {  	[smem:$0x3FAB] =	sst s0  }
0x9: {  	[smem:$0x3FAC] =	sst s1  }
0xa: {  	[smem:$0x3FAD] =	sst s2  }
0xb: {  	[smem:$0x3FAE] =	sst s3  }
0xc: {  	[smem:$0x3FAF] =	sst s4  }
0xd: {  	[smem:$0x3FB0] =	sst s5  }
0xe: {  	[smem:$0x3FB1] =	sst s6  }
0xf: {  	[smem:$0x3FB2] =	sst s7  }
0x10: {  	[smem:$0x3FB3] =	sst s8  }
0x11: {  	[smem:$0x3FB4] =	sst s9;
	s0 =	simm.s32 @!p0 $0x0  }
0x12: {  	s1 =	sld [smem:$0x3F9A];
	s0 =	simm.s32 @p0 $0x1  }
0x13: {  	[smem:$0x3FB5] =	sst s0;
	s0 =	simm.s32 @!p1 $0x0  }
0x14: {  	s2 =	sld [smem:$0x3F99];
	s0 =	simm.s32 @p1 $0x1  }
0x15: {  	[smem:$0x3FB6] =	sst s0;
	s0 =	simm.s32 @!p2 $0x0  }
0x16: {  	s3 =	sld [smem:$0x3FDB];
	s0 =	simm.s32 @p2 $0x1  }
0x17: {  	s4 =	simm.s32 $0x1BF5;
	[smem:$0x3FB8] =	sst s0  }
0x18: {  	s0 =	sld [smem:$0x3F9B];
	_ =	swait.ge [sflag:s4], $0x0  }
0x19: {  	s7 =	sld [smem:$0x3F9C]  }
0x1a: {  	s8 =	sadd.s32 $0xFFFFE003, lr  }
0x1b: {  	s9 =	sadd.s32 $0xFFFFFEF7, lr;
	s5 =	simm.s32 $0xFFFFFFFF;
	p2 =	slt.u32 s8, $0xFFFFF086  }
0x1c: {  	p1 =	slt.u32 s9, $0xF7A;
	s5 =	simm.s32 @!p2 $0x0  }
0x1d: {  	s5 =	simm.s32 @p1 $0x1;
	p0 =	seq.s32 s7, s2  }
0x1e: {  	s7 =	smul.u32 @!p0 $0xF7A, s2;
	p2 =	seq.s32 @!p0 s5, $0x0  }
0x1f: {  	s9 =	smul.u32 $0xF7A, s1;
	s8 =	simm.s32 @!p0 $0x1BF5;
	p2 =	por !p2, p0  }
0x20: {  	[sflag:s8] =	ssyncset.s32 @!p0 $0xFFFFF086;
	s6 =	sadd.s32 @!p0 s3, s7;
	s7 =	simm.s32 @!p0 $0x108  }
0x21: {  	s3 =	sadd.s32 s3, s9;
	s6 =	sadd.s32 @!p0 $0x88, s6;
	s7 =	simm.s32 @p2 $0x1082  }
0x22: {  	[simem:s7], [sflag:s8] =	dma.local @!p0 [hbm:s6], $0xF7A  }
0x23: {  	s9 =	sor.u32 $0xD0000000, s2;
	s6 =	simm.s32 $0x108;
	_ =	swait.ge @!p0 [sflag:s8], $0x0  }
0x24: {  	s3 =	sadd.s32 $0x88, s3;
	s6 =	simm.s32 @!p1 $0x1082;
	[sflag:s4] =	ssyncset.s32 $0xFFFFF086  }
0x25: {  	[simem:s6], [sflag:s4] =	dma.local [hbm:s3], $0xF7A  }
0x26: {  	[smem:$0x3F9C] =	sst s1;
	(tag) =	ssettag s2;
	_ =	strace s9  }
0x27: {  	s1 =	sld [smem:$0x3FAC]  }
0x28: {  	s2 =	sld [smem:$0x3FAD]  }
0x29: {  	s4 =	sld [smem:$0x3FAF]  }
0x2a: {  	p0 =	seq.s32 s5, $0x0;
	s5 =	sld [smem:$0x3FB0]  }
0x2b: {  	s6 =	sld [smem:$0x3FB1]  }
0x2c: {  	s7 =	sld [smem:$0x3FB2]  }
0x2d: {  	s3 =	simm.s32 $0x108;
	s8 =	sld [smem:$0x3FB3]  }
0x2e: {  	s3 =	simm.s32 @!p0 $0x1082;
	s9 =	sld [smem:$0x3FB4]  }
0x2f: {  	lr =	sadd.s32 s0, s3;
	s0 =	sld [smem:$0x3FAB]  }
0x30: {  	s3 =	sld [smem:$0x3FAE]  }
0x31: {  	[smem:$0x3FB7] =	sst s10  }
0x32: {  	s10 =	sld [smem:$0x3FB5];
	_ =	sdelay $0x3  }
0x33: {  	p0 =	seq.s32 s10, $0x1;
	s10 =	sld [smem:$0x3FB7];
	_ =	sdelay $0x3  }
0x34: {  	[smem:$0x3FB7] =	sst s10  }
0x35: {  	s10 =	sld [smem:$0x3FB6];
	_ =	sdelay $0x3  }
0x36: {  	p1 =	seq.s32 s10, $0x1;
	s10 =	sld [smem:$0x3FB7];
	_ =	sdelay $0x3  }
0x37: {  	[smem:$0x3FB7] =	sst s10  }
0x38: {  	s10 =	sld [smem:$0x3FB8]  }
0x39: {  	_ = 	snop;
	(pc) =	sbr.ind lr, $3  }
0x3a: {  	_ = 	snop  }
0x3b: {  	_ = 	snop  }
0x3c: {  	p2 =	seq.s32 s10, $0x1;
	s10 =	sld [smem:$0x3FB7]  }
0x3d: {  	_ =	shalt  }
0x3e: {  	_ =	shalt  }
0x3f: {  	_ =	shalt  }
0x40: {  	_ =	shalt  }
0x41: {  	_ =	shalt  }
0x42: {  	_ =	shalt  }
0x43: {  	_ =	shalt  }
0x44: {  	_ =	shalt  }
0x45: {  	_ =	shalt  }
0x46: {  	_ =	shalt  }
0x47: {  	_ =	shalt  }
0x48: {  	_ =	shalt  }
0x49: {  	_ =	shalt  }
0x4a: {  	_ =	shalt  }
0x4b: {  	_ =	shalt  }
0x4c: {  	_ =	shalt  }
0x4d: {  	_ =	shalt  }
0x4e: {  	_ =	shalt  }
0x4f: {  	_ =	shalt  }
0x50: {  	_ =	shalt  }
0x51: {  	_ =	shalt  }
0x52: {  	_ =	shalt  }
0x53: {  	_ =	shalt  }
0x54: {  	_ =	shalt  }
0x55: {  	_ =	shalt  }
0x56: {  	_ =	shalt  }
0x57: {  	_ =	shalt  }
0x58: {  	_ =	shalt  }
0x59: {  	_ =	shalt  }
0x5a: {  	_ =	shalt  }
0x5b: {  	_ =	shalt  }
0x5c: {  	_ =	shalt  }
0x5d: {  	_ =	shalt  }
0x5e: {  	_ =	shalt  }
0x5f: {  	_ =	shalt  }
0x60: {  	_ =	shalt  }
0x61: {  	_ =	shalt  }
0x62: {  	_ =	shalt  }
0x63: {  	_ =	shalt  }
0x64: {  	_ =	shalt  }
0x65: {  	_ =	shalt  }
0x66: {  	_ =	shalt  }
0x67: {  	_ =	shalt  }
0x68: {  	_ =	shalt  }
0x69: {  	_ =	shalt  }
0x6a: {  	_ =	shalt  }
0x6b: {  	_ =	shalt  }
0x6c: {  	_ =	shalt  }
0x6d: {  	_ =	shalt  }
0x6e: {  	_ =	shalt  }
0x6f: {  	_ =	shalt  }
0x70: {  	_ =	shalt  }
0x71: {  	_ =	shalt  }
0x72: {  	_ =	shalt  }
0x73: {  	_ =	shalt  }
0x74: {  	_ =	shalt  }
0x75: {  	_ =	shalt  }
0x76: {  	_ =	shalt  }
0x77: {  	_ =	shalt  }
0x78: {  	_ =	shalt  }
0x79: {  	_ =	shalt  }
0x7a: {  	_ =	shalt  }
0x7b: {  	_ =	shalt  }
0x7c: {  	_ =	shalt  }
0x7d: {  	_ =	shalt  }
0x7e: {  	_ =	shalt  }
0x7f: {  	_ =	shalt  }
0x80: {  	_ =	shalt  }
0x81: {  	_ =	shalt  }
0x82: {  	_ =	shalt  }
0x83: {  	_ =	shalt  }
0x84: {  	_ =	shalt  }
0x85: {  	_ =	shalt  }
0x86: {  	_ =	shalt  }
0x87: {  	_ =	shalt  }
.Lfunc_end0:
.L_simem_size_0:
called_computation_lowered:
.L_overlay_start_0:
0x88: {  	s2 =	sld [smem:$0x3FD9]  }
0x89: {  	s3 =	sld [smem:$0x3FFE];
	_ =	sdelay $0x1  }
0x8a: {  	s1 =	srdreg.scid  }
0x8b: {  	s0 =	sand.u32 $0x1, s1  }
0x8c: {  	s17 =	sshll.u32 s0, $0xA;
	s2 =	sadd.s32 s3, s2  }
0x8d: {  	s2 =	sadd.s32 s2, s17  }
0x8e: {  	[smem:$0x3FC3] =	sst s2  }
0x8f: {  	_ = 	snop  }
0x90: {  	s2 =	sld [smem:$0x3FD0];
	(tm) =	ssettm $0x1  }
0x91: {  	s18 =	sld [smem:$0x3FFB];
	_ =	sdelay $0x3  }
0x92: {  	_ =	strace s18  }
0x93: {  	s3 =	sld [smem:$0x3FFC];
	_ =	sdelay $0x3  }
0x94: {  	_ =	strace s3  }
0x95: {  	s3 =	sld [smem:$0x3FFD];
	_ =	sdelay $0x3  }
0x96: {  	_ =	strace s3  }
0x97: {  	_ =	strace $0x8FFFFFFF  }
0x98: {  	s19 =	sld [smem:$0x3FDB];
	_ =	sdelay $0x1  }
0x99: {  	s4 =	simm.s32 $_scs_section_size  }
0x9a: {  	s5 =	simm.s32 $_size__tile_overlayer_lowered;
	s6 =	simm.s32 $_tile_overlayer_lowered  }
0x9b: {  	s22 =	simm.s32 $0x1BFF;
	s21 =	sshll.u32 s6, $0x1;
	s3 =	sadd.s32 s4, s19  }
0x9c: {  	s7 =	simm.s32 $0x0;
	s20 =	sshll.u32 s5, $0x1;
	s5 =	sadd.s32 s21, s3  }
0x9d: {  	[timem:s7], [sflag:s22] =	dma.local [hbm:s5], s20  }
0x9e: {  	_ =	swait.ge [sflag:s22], s20  }
0x9f: {  	s4 =	ssub.s32 $0x0, s20;
	[sflag:s22] =	ssyncset.done $0x0  }
0xa0: {  	[sflag:s22] =	ssyncadd.s32 s4;
	_ =	sdelay $0x1  }
0xa1: {  	s23 =	simm.s32 $0x1B8B  }
0xa2: {  	_ =	swait.ge [sflag:s23], $0x1  }
0xa3: {  	[sflag:s23] =	ssyncset.done $0x0  }
0xa4: {  	s25 =	simm.s32 $0x1B8E;
	s24 =	sld [smem:$0x3FFE];
	[sflag:s23] =	ssyncadd.s32 $0xFFFFFFFF  }
0xa5: {  	s26 =	simm.s32 $execute0_lowered;
	[smem:$0x3FD2] =	sst s25  }
0xa6: {  	s5 =	sshll.u32 s26, $0x1;
	_ =	strace $0x80000046;
	[dreg:$0x1] =	wrdreg $0xFFFFFFFF  }
0xa7: {  	s28 =	simm.s32 $_size_execute0_lowered;
	s3 =	sadd.s32 s3, s5;
	[dreg:$0x0] =	wrdreg $0x0  }
0xa8: {  	s5 =	sshll.u32 s28, $0x1;
	[dreg:$0x2] =	wrdreg s3  }
0xa9: {  	[dreg:$0x3] =	wrdreg s5  }
0xaa: {  	[dreg:$0x4] =	wrdreg $0xC0  }
0xab: {  	_ =	task [dreg:s7], $0x5FFFF  }
0xac: {  	[dreg:$0x1] =	wrdreg $0xFFFFFFFF  }
0xad: {  	[dreg:$0x0] =	wrdreg $0x60  }
0xae: {  	[dreg:$0x2] =	wrdreg s2  }
0xaf: {  	[dreg:$0x3] =	wrdreg s24  }
0xb0: {  	[dreg:$0x4] =	wrdreg $0x80000  }
0xb1: {  	[dreg:$0x5] =	wrdreg $0x9  }
0xb2: {  	_ =	task.clear_ibuf [dreg:s7], $0x6FFFF;
	_ =	strace $0x90000046  }
0xb3: {  	s29 =	simm.s32 $0x9;
	_ =	strace $0x80000048  }
0xb4: {  	_ =	swait.ge [sflag:s29], $0x1  }
0xb5: {  	[sflag:s29] =	ssyncadd.s32 $0xFFFFFFFF  }
0xb6: {  	_ =	strace $0x90000048  }
0xb7: {  	_ =	sfence  }
0xb8: {  	s30 =	sld [smem:$0x0];
	_ =	sdelay $0x2  }
0xb9: {  	s31 =	sshll.u32 s1, $0xD;
	s1 =	sshrl.u32 s1, $0x2  }
0xba: {  	s3 =	sand.u32 $0x4000, s31;
	s1 =	sadd.s32 s1, s30  }
0xbb: {  	s0 =	sor.u32 s3, s0;
	s1 =	sshll.u32 s1, $0x11  }
0xbc: {  	s0 =	sor.u32 s1, s0  }
0xbd: {  	s0 =	sadd.s32 $0x8F2B, s0  }
0xbe: {  	[sflag:s0] =	ssyncadd.remote.s32 $0x1  }
0xbf: {  	_ =	sfence.sel $0xFFFF  }
0xc0: {  	[dreg:$0x0] =	wrdreg $0xFFFFFFFF;
	(pc) =	sbr.abs _section_cstart, $3  }
0xc1: {  	[dreg:$0x1] =	wrdreg $0xFFFFFFFF  }
0xc2: {  	_ =	task.clear_ibuf [dreg:s7], $0x2FFFF;
	_ =	strace $0x9FFFFFFF  }
0xc3: {  	(tm) =	ssettm $0x7FFFFFFF  }
tec
execute0_lowered:
.L_overlay_start_1:
0x0: {  	(tag) =	ssettag $0x1  }
0x1: {  	s4 =	rddreg [dreg:$0x0]  }
0x2: {  	s5 =	rddreg [dreg:$0x1]  }
0x3: {  	s1 =	rddreg [dreg:$0x2]  }
0x4: {  	s0 =	rddreg [dreg:$0x3]  }
0x5: {  	s3 =	srdreg.scid;
	s2 =	simm.s32 $0x0;
	s8 =	stileid.u32  }
0x6: {  	s11 =	simm.s32 $0x50;
	s12 =	simm.s32 $0x1;
	s13 =	simm.s32 $0x0  }
0x7: {  	s3 =	sand.u32 $0x1, s3;
	[smem:$0x7FF] =	sst s2;
	s6 =	sshll.u32 s8, $0xC  }
0x8: {  	p0 =	sne.s32 s8, $0x0;
	s7 =	sshll.u32 s3, $0xB;
	_ =	strace $0x80000047  }
0x9: {  	s9 =	sshll.u32 s3, $0x4;
	s10 =	ssub.s32 $0x2, s3;
	s3 =	sadd.s32 $0x11800, s5  }
0xa: {  	s8 =	sshrl.u32 @!p0 s1, $0x3;
	s6 =	sor.u32 s7, s6;
	s31 =	sshrl.u32 s10, $0x1  }
0xb: {  	s9 =	sadd.s32 s9, s5;
	s7 =	sadd.s32 s6, s5;
	s10 =	ssub.s32 s10, s31  }
0xc: {  	s4 =	sadd.s32 s4, s6;
	s6 =	sadd.s32 $0x11E00, s9;
	s9 =	simm.s32 $0x2  }
0xd: {  	s5 =	sadd.s32 $0x1800, s7;
	s7 =	smax.u32 s10, $0x1;
	s10 =	simm.s32 $0x4000  }
.LBB2_1:
0xe: {  	s14 =	simm.s32 @!p0 $0x1C02  }
0xf: {  	[spmem:s8], [sflag:s14] =	dma.local @!p0 [hbm:s3], $0x4F0  }
0x10: {  	s14 =	simm.s32 @!p0 $0x2  }
0x11: {  	_ =	swait.ge @!p0 [sflag:s14], $0x4F0  }
0x12: {  	[sflag:s14] =	ssyncset.done @!p0 $0x0  }
0x13: {  	[sflag:s14] =	ssyncadd.s32 @!p0 $0xFFFFFB10  }
0x14: {  	[tilespmem:s2], [sflag:$0x2] =	stream.linear.gather [hbm4b:s4+s2], $0x3E80, $0x38;
	[tilespmem:$0x8278] =	vst v63  }
0x15: {  	_ =	swait.ge [sflag:s9], $0x3E80  }
0x16: {  	[sflag:s9] =	ssyncset.done $0x0  }
0x17: {  	[sflag:s9] =	ssyncadd.s32 $0xFFFFC180  }
0x18: {  	[tilespmem:s10], [sflag:$0x2] =	stream.linear.gather [hbm4b:s5+s2], $0x3E80, $0x38;
	[tilespmem:$0x8278] =	vst v63  }
0x19: {  	_ =	swait.ge [sflag:s9], $0x3E80  }
0x1a: {  	[sflag:s9] =	ssyncset.done $0x0  }
0x1b: {  	[sflag:s9] =	ssyncadd.s32 $0xFFFFC180  }
0x1c: {  	s14 =	simm.s32 $0x0;
	[bflag:$0x0] =	sbarrier.arrive $0xFFFF  }
.LBB2_2:
0x1d: {  	p1 =	sne.s32 s14, $0xF800  }
.Ltmp0:
0x1e: {  	_ = 	snop;
	(pc) =	sbr.rel @p1 .LBB2_2-.Ltmp0, $4  }
0x1f: {  	_ = 	snop  }
0x20: {  	s15 =	sshra.s32 s14, $0x2  }
0x21: {  	s14 =	sadd.s32 $0x200, s14;
	s16 =	sadd.s32 $0x4000, s15  }
0x22: {  	[spmem:s1] =	stream.indirect.scatter.add.f32 [tilespmem:s16], [sflag:$0x1], $0x1, s15, s11, $0xb8;
	[tilespmem:$0x8278] =	vst v63  }
0x23: {  	_ =	swait.ge [sflag:s12], $0x50  }
0x24: {  	s14 =	simm.s32 $0x7C;
	[sflag:s12] =	ssyncset.done $0x0  }
.LBB2_4:
0x25: {  	p1 =	sne.s32 s14, $0x1;
	s14 =	sadd.s32 $0xFFFFFFFF, s14;
	[sflag:s12] =	ssyncadd.s32 $0xFFFFFFB0  }
.Ltmp1:
0x26: {  	(pc) =	sbr.rel @p1 .LBB2_4-.Ltmp1, $3  }
0x27: {  	_ =	sdelay $0x1  }
0x28: {  	_ =	swait.ge [sflag:s12], $0x50  }
0x29: {  	[sflag:s12] =	ssyncset.done $0x0  }
0x2a: {  	[sflag:s12] =	ssyncadd.s32 $0xFFFFFFB0;
	s14 =	simm.s32 @!p0 $0x1  }
0x2b: {  	s15 =	simm.s32 @!p0 $0x20;
	s16 =	simm.s32 @!p0 $0x10;
	s13 =	sadd.s32 $0x1, s13  }
0x2c: {  	s17 =	simm.s32 @!p0 $0x1C02;
	[bflag:$0x0] =	sbarrier.arrive $0xFFFF;
	p1 =	sne.s32 s13, s7  }
0x2d: {  	[hbm:s6@s15], [sflag:s17] =	dma.strided @!p0 [spmem:s8@s16], $0x4F0, s14, $0x10   }
.Ltmp2:
0x2e: {  	_ = 	snop;
	(pc) =	sbr.rel @p1 .LBB2_1-.Ltmp2, $4  }
0x2f: {  	s14 =	simm.s32 @!p0 $0x2  }
0x30: {  	_ =	swait.ge @!p0 [sflag:s14], $0x4F0  }
0x31: {  	[sflag:s14] =	ssyncset.done @!p0 $0x0  }
0x32: {  	[sflag:s14] =	ssyncadd.s32 @!p0 $0xFFFFFB10  }
0x33: {  	_ =	sfence.sel $0x180000  }
0x34: {  	[bflag:$0x0] =	sbarrier.arrive $0xFFFF  }
0x35: {  	_ =	strace $0x90000047  }
0x36: {  	s0 =	sadd.s32 @!p0 $0x100000, s0;
	[bflag:$0x2] =	sbarrier.arrive $0xFFFF  }
0x37: {  	[sflag:s0] =	ssyncadd.tile.s32 @!p0 $0x1;
	_ =	shalt  }
.Lfunc_end2:
_tile_overlayer_lowered:
.L_overlay_start_2:
0x38: {  	(tag) =	ssettag $0x2  }
0x39: {  	s0 =	rddreg [dreg:$0x0];
	s2 =	stileid.u32  }
0x3a: {  	s1 =	rddreg [dreg:$0x1];
	p0 =	sne.s32 s2, $0x0  }
0x3b: {  	s3 =	rddreg [dreg:$0x2];
	[bflag:$0x3] =	sbarrier.arrive $0xFFFF;
	s2 =	simm.s32 @!p0 $0x1C02  }
0x3c: {  	[timem:s3], [sflag:s2] =	dma.local @!p0 [hbm:s0], s1  }
0x3d: {  	s0 =	simm.s32 @!p0 $0x2  }
0x3e: {  	_ =	swait.ge @!p0 [sflag:s0], s1  }
0x3f: {  	s1 =	ssub.s32 @!p0 $0x0, s1;
	[sflag:s0] =	ssyncset.done @!p0 $0x0  }
0x40: {  	[sflag:s0] =	ssyncadd.s32 @!p0 s1  }
0x41: {  	[bflag:$0x3] =	sbarrier.arrive $0xFFFF  }
0x42: {  	_ =	shalt  }

// kernel: kernel.9.cloned.1.call-start
scs
__scs_entry_jumppad:
0x0: {  	(pc) =	sbr.rel $0x88, $3  }
0x1: {  	(tag) =	ssettag $0x0;
	lr =	simm.s32 $0x1  }
0x2: {  	[smem:$0x3F9C] =	sst lr;
	_ =	strace $0xD0000000  }
0x3: {  	_ = 	snop  }
0x4: {  	_ = 	snop  }
0x5: {  	_ = 	snop  }
0x6: {  	_ = 	snop  }
0x7: {  	_ = 	snop  }
__scs_overlays_trampoline_lowered:
0x8: {  	[smem:$0x3FAB] =	sst s0  }
0x9: {  	[smem:$0x3FAC] =	sst s1  }
0xa: {  	[smem:$0x3FAD] =	sst s2  }
0xb: {  	[smem:$0x3FAE] =	sst s3  }
0xc: {  	[smem:$0x3FAF] =	sst s4  }
0xd: {  	[smem:$0x3FB0] =	sst s5  }
0xe: {  	[smem:$0x3FB1] =	sst s6  }
0xf: {  	[smem:$0x3FB2] =	sst s7  }
0x10: {  	[smem:$0x3FB3] =	sst s8  }
0x11: {  	[smem:$0x3FB4] =	sst s9;
	s0 =	simm.s32 @!p0 $0x0  }
0x12: {  	s1 =	sld [smem:$0x3F9A];
	s0 =	simm.s32 @p0 $0x1  }
0x13: {  	[smem:$0x3FB5] =	sst s0;
	s0 =	simm.s32 @!p1 $0x0  }
0x14: {  	s2 =	sld [smem:$0x3F99];
	s0 =	simm.s32 @p1 $0x1  }
0x15: {  	[smem:$0x3FB6] =	sst s0;
	s0 =	simm.s32 @!p2 $0x0  }
0x16: {  	s3 =	sld [smem:$0x3FDB];
	s0 =	simm.s32 @p2 $0x1  }
0x17: {  	s4 =	simm.s32 $0x1BF5;
	[smem:$0x3FB8] =	sst s0  }
0x18: {  	s0 =	sld [smem:$0x3F9B];
	_ =	swait.ge [sflag:s4], $0x0  }
0x19: {  	s7 =	sld [smem:$0x3F9C]  }
0x1a: {  	s8 =	sadd.s32 $0xFFFFE003, lr  }
0x1b: {  	s9 =	sadd.s32 $0xFFFFFEF7, lr;
	s5 =	simm.s32 $0xFFFFFFFF;
	p2 =	slt.u32 s8, $0xFFFFF086  }
0x1c: {  	p1 =	slt.u32 s9, $0xF7A;
	s5 =	simm.s32 @!p2 $0x0  }
0x1d: {  	s5 =	simm.s32 @p1 $0x1;
	p0 =	seq.s32 s7, s2  }
0x1e: {  	s7 =	smul.u32 @!p0 $0xF7A, s2;
	p2 =	seq.s32 @!p0 s5, $0x0  }
0x1f: {  	s9 =	smul.u32 $0xF7A, s1;
	s8 =	simm.s32 @!p0 $0x1BF5;
	p2 =	por !p2, p0  }
0x20: {  	[sflag:s8] =	ssyncset.s32 @!p0 $0xFFFFF086;
	s6 =	sadd.s32 @!p0 s3, s7;
	s7 =	simm.s32 @!p0 $0x108  }
0x21: {  	s3 =	sadd.s32 s3, s9;
	s6 =	sadd.s32 @!p0 $0x88, s6;
	s7 =	simm.s32 @p2 $0x1082  }
0x22: {  	[simem:s7], [sflag:s8] =	dma.local @!p0 [hbm:s6], $0xF7A  }
0x23: {  	s9 =	sor.u32 $0xD0000000, s2;
	s6 =	simm.s32 $0x108;
	_ =	swait.ge @!p0 [sflag:s8], $0x0  }
0x24: {  	s3 =	sadd.s32 $0x88, s3;
	s6 =	simm.s32 @!p1 $0x1082;
	[sflag:s4] =	ssyncset.s32 $0xFFFFF086  }
0x25: {  	[simem:s6], [sflag:s4] =	dma.local [hbm:s3], $0xF7A  }
0x26: {  	[smem:$0x3F9C] =	sst s1;
	(tag) =	ssettag s2;
	_ =	strace s9  }
0x27: {  	s1 =	sld [smem:$0x3FAC]  }
0x28: {  	s2 =	sld [smem:$0x3FAD]  }
0x29: {  	s4 =	sld [smem:$0x3FAF]  }
0x2a: {  	p0 =	seq.s32 s5, $0x0;
	s5 =	sld [smem:$0x3FB0]  }
0x2b: {  	s6 =	sld [smem:$0x3FB1]  }
0x2c: {  	s7 =	sld [smem:$0x3FB2]  }
0x2d: {  	s3 =	simm.s32 $0x108;
	s8 =	sld [smem:$0x3FB3]  }
0x2e: {  	s3 =	simm.s32 @!p0 $0x1082;
	s9 =	sld [smem:$0x3FB4]  }
0x2f: {  	lr =	sadd.s32 s0, s3;
	s0 =	sld [smem:$0x3FAB]  }
0x30: {  	s3 =	sld [smem:$0x3FAE]  }
0x31: {  	[smem:$0x3FB7] =	sst s10  }
0x32: {  	s10 =	sld [smem:$0x3FB5];
	_ =	sdelay $0x3  }
0x33: {  	p0 =	seq.s32 s10, $0x1;
	s10 =	sld [smem:$0x3FB7];
	_ =	sdelay $0x3  }
0x34: {  	[smem:$0x3FB7] =	sst s10  }
0x35: {  	s10 =	sld [smem:$0x3FB6];
	_ =	sdelay $0x3  }
0x36: {  	p1 =	seq.s32 s10, $0x1;
	s10 =	sld [smem:$0x3FB7];
	_ =	sdelay $0x3  }
0x37: {  	[smem:$0x3FB7] =	sst s10  }
0x38: {  	s10 =	sld [smem:$0x3FB8]  }
0x39: {  	_ = 	snop;
	(pc) =	sbr.ind lr, $3  }
0x3a: {  	_ = 	snop  }
0x3b: {  	_ = 	snop  }
0x3c: {  	p2 =	seq.s32 s10, $0x1;
	s10 =	sld [smem:$0x3FB7]  }
0x3d: {  	_ =	shalt  }
0x3e: {  	_ =	shalt  }
0x3f: {  	_ =	shalt  }
0x40: {  	_ =	shalt  }
0x41: {  	_ =	shalt  }
0x42: {  	_ =	shalt  }
0x43: {  	_ =	shalt  }
0x44: {  	_ =	shalt  }
0x45: {  	_ =	shalt  }
0x46: {  	_ =	shalt  }
0x47: {  	_ =	shalt  }
0x48: {  	_ =	shalt  }
0x49: {  	_ =	shalt  }
0x4a: {  	_ =	shalt  }
0x4b: {  	_ =	shalt  }
0x4c: {  	_ =	shalt  }
0x4d: {  	_ =	shalt  }
0x4e: {  	_ =	shalt  }
0x4f: {  	_ =	shalt  }
0x50: {  	_ =	shalt  }
0x51: {  	_ =	shalt  }
0x52: {  	_ =	shalt  }
0x53: {  	_ =	shalt  }
0x54: {  	_ =	shalt  }
0x55: {  	_ =	shalt  }
0x56: {  	_ =	shalt  }
0x57: {  	_ =	shalt  }
0x58: {  	_ =	shalt  }
0x59: {  	_ =	shalt  }
0x5a: {  	_ =	shalt  }
0x5b: {  	_ =	shalt  }
0x5c: {  	_ =	shalt  }
0x5d: {  	_ =	shalt  }
0x5e: {  	_ =	shalt  }
0x5f: {  	_ =	shalt  }
0x60: {  	_ =	shalt  }
0x61: {  	_ =	shalt  }
0x62: {  	_ =	shalt  }
0x63: {  	_ =	shalt  }
0x64: {  	_ =	shalt  }
0x65: {  	_ =	shalt  }
0x66: {  	_ =	shalt  }
0x67: {  	_ =	shalt  }
0x68: {  	_ =	shalt  }
0x69: {  	_ =	shalt  }
0x6a: {  	_ =	shalt  }
0x6b: {  	_ =	shalt  }
0x6c: {  	_ =	shalt  }
0x6d: {  	_ =	shalt  }
0x6e: {  	_ =	shalt  }
0x6f: {  	_ =	shalt  }
0x70: {  	_ =	shalt  }
0x71: {  	_ =	shalt  }
0x72: {  	_ =	shalt  }
0x73: {  	_ =	shalt  }
0x74: {  	_ =	shalt  }
0x75: {  	_ =	shalt  }
0x76: {  	_ =	shalt  }
0x77: {  	_ =	shalt  }
0x78: {  	_ =	shalt  }
0x79: {  	_ =	shalt  }
0x7a: {  	_ =	shalt  }
0x7b: {  	_ =	shalt  }
0x7c: {  	_ =	shalt  }
0x7d: {  	_ =	shalt  }
0x7e: {  	_ =	shalt  }
0x7f: {  	_ =	shalt  }
0x80: {  	_ =	shalt  }
0x81: {  	_ =	shalt  }
0x82: {  	_ =	shalt  }
0x83: {  	_ =	shalt  }
0x84: {  	_ =	shalt  }
0x85: {  	_ =	shalt  }
0x86: {  	_ =	shalt  }
0x87: {  	_ =	shalt  }
.Lfunc_end0:
.L_simem_size_0:
called_computation.1_lowered:
.L_overlay_start_0:
0x88: {  	s2 =	sld [smem:$0x3FD9]  }
0x89: {  	s3 =	sld [smem:$0x3FFE];
	_ =	sdelay $0x1  }
0x8a: {  	s1 =	srdreg.scid  }
0x8b: {  	s0 =	sand.u32 $0x1, s1  }
0x8c: {  	s17 =	sshll.u32 s0, $0xA;
	s2 =	sadd.s32 s3, s2  }
0x8d: {  	s2 =	sadd.s32 s2, s17  }
0x8e: {  	[smem:$0x3FC3] =	sst s2  }
0x8f: {  	_ = 	snop  }
0x90: {  	s2 =	sld [smem:$0x3FD0];
	(tm) =	ssettm $0x1  }
0x91: {  	s18 =	sld [smem:$0x3FFB];
	_ =	sdelay $0x3  }
0x92: {  	_ =	strace s18  }
0x93: {  	s3 =	sld [smem:$0x3FFC];
	_ =	sdelay $0x3  }
0x94: {  	_ =	strace s3  }
0x95: {  	s3 =	sld [smem:$0x3FFD];
	_ =	sdelay $0x3  }
0x96: {  	_ =	strace s3  }
0x97: {  	_ =	strace $0x8FFFFFFF  }
0x98: {  	s19 =	sld [smem:$0x3FDB];
	_ =	sdelay $0x1  }
0x99: {  	s4 =	simm.s32 $_scs_section_size  }
0x9a: {  	s5 =	simm.s32 $_size__tile_overlayer_lowered;
	s6 =	simm.s32 $_tile_overlayer_lowered  }
0x9b: {  	s22 =	simm.s32 $0x1BFF;
	s21 =	sshll.u32 s6, $0x1;
	s3 =	sadd.s32 s4, s19  }
0x9c: {  	s7 =	simm.s32 $0x0;
	s20 =	sshll.u32 s5, $0x1;
	s5 =	sadd.s32 s21, s3  }
0x9d: {  	[timem:s7], [sflag:s22] =	dma.local [hbm:s5], s20  }
0x9e: {  	_ =	swait.ge [sflag:s22], s20  }
0x9f: {  	s4 =	ssub.s32 $0x0, s20;
	[sflag:s22] =	ssyncset.done $0x0  }
0xa0: {  	[sflag:s22] =	ssyncadd.s32 s4;
	_ =	sdelay $0x1  }
0xa1: {  	s23 =	simm.s32 $0x1B8B  }
0xa2: {  	_ =	swait.ge [sflag:s23], $0x1  }
0xa3: {  	[sflag:s23] =	ssyncset.done $0x0  }
0xa4: {  	s25 =	simm.s32 $0x1B8E;
	s24 =	sld [smem:$0x3FFE];
	[sflag:s23] =	ssyncadd.s32 $0xFFFFFFFF  }
0xa5: {  	s26 =	simm.s32 $execute0_lowered;
	[smem:$0x3FD2] =	sst s25  }
0xa6: {  	s5 =	sshll.u32 s26, $0x1;
	_ =	strace $0x80000049;
	[dreg:$0x1] =	wrdreg $0xFFFFFFFF  }
0xa7: {  	s28 =	simm.s32 $_size_execute0_lowered;
	s3 =	sadd.s32 s3, s5;
	[dreg:$0x0] =	wrdreg $0x0  }
0xa8: {  	s5 =	sshll.u32 s28, $0x1;
	[dreg:$0x2] =	wrdreg s3  }
0xa9: {  	[dreg:$0x3] =	wrdreg s5  }
0xaa: {  	[dreg:$0x4] =	wrdreg $0xC0  }
0xab: {  	_ =	task [dreg:s7], $0x5FFFF  }
0xac: {  	[dreg:$0x1] =	wrdreg $0xFFFFFFFF  }
0xad: {  	[dreg:$0x0] =	wrdreg $0x60  }
0xae: {  	[dreg:$0x2] =	wrdreg s2  }
0xaf: {  	[dreg:$0x3] =	wrdreg s24  }
0xb0: {  	[dreg:$0x4] =	wrdreg $0x9F000  }
0xb1: {  	[dreg:$0x5] =	wrdreg $0x9  }
0xb2: {  	_ =	task.clear_ibuf [dreg:s7], $0x6FFFF;
	_ =	strace $0x90000049  }
0xb3: {  	s29 =	simm.s32 $0x9;
	_ =	strace $0x8000004B  }
0xb4: {  	_ =	swait.ge [sflag:s29], $0x1  }
0xb5: {  	[sflag:s29] =	ssyncadd.s32 $0xFFFFFFFF  }
0xb6: {  	_ =	strace $0x9000004B  }
0xb7: {  	_ =	sfence  }
0xb8: {  	s30 =	sld [smem:$0x0];
	_ =	sdelay $0x2  }
0xb9: {  	s31 =	sshll.u32 s1, $0xD;
	s1 =	sshrl.u32 s1, $0x2  }
0xba: {  	s3 =	sand.u32 $0x4000, s31;
	s1 =	sadd.s32 s1, s30  }
0xbb: {  	s0 =	sor.u32 s3, s0;
	s1 =	sshll.u32 s1, $0x11  }
0xbc: {  	s0 =	sor.u32 s1, s0  }
0xbd: {  	s0 =	sadd.s32 $0x8F2B, s0  }
0xbe: {  	[sflag:s0] =	ssyncadd.remote.s32 $0x1  }
0xbf: {  	_ =	sfence.sel $0xFFFF  }
0xc0: {  	[dreg:$0x0] =	wrdreg $0xFFFFFFFF;
	(pc) =	sbr.abs _section_cstart, $3  }
0xc1: {  	[dreg:$0x1] =	wrdreg $0xFFFFFFFF  }
0xc2: {  	_ =	task.clear_ibuf [dreg:s7], $0x2FFFF;
	_ =	strace $0x9FFFFFFF  }
0xc3: {  	(tm) =	ssettm $0x7FFFFFFF  }
tec
execute0_lowered:
.L_overlay_start_1:
0x0: {  	(tag) =	ssettag $0x1  }
0x1: {  	s0 =	rddreg [dreg:$0x0];
	s1 =	srdreg.scid  }
0x2: {  	s9 =	stileid.u32;
	s5 =	rddreg [dreg:$0x1]  }
0x3: {  	s2 =	rddreg [dreg:$0x2];
	s11 =	simm.s32 $0x3;
	s12 =	simm.s32 $0x100  }
0x4: {  	s13 =	simm.s32 $0x200;
	s14 =	simm.s32 $0x64;
	s17 =	simm.s32 $0x80  }
0x5: {  	s19 =	simm.s32 $0x180;
	s21 =	simm.s32 $0x280;
	s22 =	simm.s32 $0x3700  }
0x6: {  	s23 =	simm.s32 $0x1;
	s24 =	simm.s32 $0x6B00;
	s25 =	simm.s32 $0x2  }
0x7: {  	s26 =	simm.s32 $0x0;
	s1 =	sand.u32 $0x1, s1;
	s3 =	sshll.u32 s9, $0x1  }
0x8: {  	s30 =	sadd.s32 $0x39800, s5;
	p0 =	sne.s32 s9, $0x0;
	s4 =	sor.u32 s1, s3  }
0x9: {  	s3 =	simm.s32 $0x0;
	s6 =	smul.u32 $0x27100, s1;
	s1 =	ssub.s32 $0x2, s1  }
0xa: {  	s10 =	sshrl.u32 @!p0 s2, $0x3;
	s4 =	smul.u32 $0x680, s4;
	[smem:$0x7FF] =	sst s3  }
.Ltmp0:
0xb: {  	s31 =	sshrl.u32 s1, $0x1;
	_ =	strace $0x8000004A;
	(pc) =	sbr.rel .LBB2_1-.Ltmp0, $4  }
0xc: {  	[dreg:$0x4] =	wrdreg s30;
	s8 =	sadd.s32 s6, s5;
	s1 =	ssub.s32 s1, s31  }
0xd: {  	s7 =	sadd.s32 s4, s5;
	s8 =	sadd.s32 $0x60A00, s8;
	s9 =	smax.u32 s1, $0x1  }
0xe: {  	s5 =	sadd.s32 $0x2C800, s7;
	s6 =	sadd.s32 $0x1F800, s7;
	s7 =	sadd.s32 $0x12800, s7  }
0xf: {  	s16 =	sadd.s32 $0x10, s5;
	s18 =	sadd.s32 $0x10, s6;
	s20 =	sadd.s32 $0x10, s7  }
.LBB2_8:
0x10: {  	[bflag:$0x0] =	sbarrier.arrive $0xFFFF;
	s1 =	simm.s32 @!p0 $0x1C03;
	s26 =	sadd.s32 $0x1, s26  }
0x11: {  	[hbm:s8], [sflag:s1] =	dma.local @!p0 [spmem:s10], $0x27100  }
0x12: {  	p1 =	sne.s32 s26, s9  }
.Ltmp1:
0x13: {  	_ = 	snop;
	(pc) =	sbr.rel @!p1 .LBB2_9-.Ltmp1, $4  }
0x14: {  	s1 =	simm.s32 @!p0 $0x3  }
0x15: {  	_ =	swait.ge @!p0 [sflag:s1], $0x27100  }
0x16: {  	[sflag:s1] =	ssyncset.done @!p0 $0x0  }
0x17: {  	[sflag:s1] =	ssyncadd.s32 @!p0 $0xFFFD8F00  }
.LBB2_1:
0x18: {  	s1 =	simm.s32 @!p0 $0x1C03;
	s4 =	rddreg [dreg:$0x4]  }
0x19: {  	[spmem:s10], [sflag:s1] =	dma.local @!p0 [hbm:s4], $0x27100  }
0x1a: {  	s1 =	simm.s32 @!p0 $0x3  }
0x1b: {  	_ =	swait.ge @!p0 [sflag:s1], $0x27100  }
0x1c: {  	[sflag:s1] =	ssyncset.done @!p0 $0x0  }
0x1d: {  	[sflag:s1] =	ssyncadd.s32 @!p0 $0xFFFD8F00  }
0x1e: {  	[bflag:$0x0] =	sbarrier.arrive $0xFFFF  }
0x1f: {  	[tilespmem:s3], [sflag:$0x3] =	stream.linear.gather [hbm4b:s5+s3], $0x80, $0x38;
	[tilespmem:$0x1D780] =	vst v63  }
0x20: {  	_ =	swait.ge [sflag:s11], $0x80  }
0x21: {  	[sflag:s11] =	ssyncset.done $0x0  }
0x22: {  	[sflag:s11] =	ssyncadd.s32 $0xFFFFFF80  }
0x23: {  	[tilespmem:s12], [sflag:$0x3] =	stream.linear.gather [hbm4b:s6+s3], $0x80, $0x38;
	[tilespmem:$0x1D780] =	vst v63  }
0x24: {  	_ =	swait.ge [sflag:s11], $0x80  }
0x25: {  	[sflag:s11] =	ssyncset.done $0x0  }
0x26: {  	[sflag:s11] =	ssyncadd.s32 $0xFFFFFF80  }
0x27: {  	[tilespmem:s13], [sflag:$0x3] =	stream.linear.gather [hbm4b:s7+s3], $0x80, $0x38;
	[tilespmem:$0x1D780] =	vst v63  }
0x28: {  	_ =	swait.ge [sflag:s11], $0x80  }
0x29: {  	[sflag:s11] =	ssyncset.done $0x0  }
0x2a: {  	s31 =	simm.s32 $0x300;
	[sflag:s11] =	ssyncadd.s32 $0xFFFFFF80  }
0x2b: {  	[tilespmem:s31], [sflag:$0x1] =	stream.indirect.gather [hbm4b:s0+s14], $0x80, s3, s14, $0xb8;
	[tilespmem:$0x1D780] =	vst v63  }
0x2c: {  	_ = 	snop  }
0x2d: {  	[tilespmem:s17], [sflag:$0x3] =	stream.linear.gather [hbm4b:s16+s3], $0x80, $0x38;
	[tilespmem:$0x1D780] =	vst v63  }
0x2e: {  	_ =	swait.ge [sflag:s11], $0x80  }
0x2f: {  	[sflag:s11] =	ssyncset.done $0x0  }
0x30: {  	[sflag:s11] =	ssyncadd.s32 $0xFFFFFF80  }
0x31: {  	[tilespmem:s19], [sflag:$0x3] =	stream.linear.gather [hbm4b:s18+s3], $0x80, $0x38;
	[tilespmem:$0x1D780] =	vst v63  }
0x32: {  	_ =	swait.ge [sflag:s11], $0x80  }
0x33: {  	[sflag:s11] =	ssyncset.done $0x0  }
0x34: {  	[sflag:s11] =	ssyncadd.s32 $0xFFFFFF80  }
0x35: {  	[tilespmem:s21], [sflag:$0x3] =	stream.linear.gather [hbm4b:s20+s3], $0x80, $0x38;
	[tilespmem:$0x1D780] =	vst v63  }
0x36: {  	_ =	swait.ge [sflag:s11], $0x80  }
0x37: {  	[sflag:s11] =	ssyncset.done $0x0  }
0x38: {  	s28 =	simm.s32 $0x0;
	[sflag:s11] =	ssyncadd.s32 $0xFFFFFF80  }
0x39: {  	[tilespmem:s22], [sflag:$0x2] =	stream.indirect.gather [hbm4b:s0+s14], $0x80, s17, s14, $0xb8;
	[tilespmem:$0x1D780] =	vst v63  }
.LBB2_2:
0x3a: {  	s1 =	simm.s32 $0x0  }
0x3b: {  	v0 =	vmov s1  }
0x3c: {  	_ =	swait.ge [sflag:s23], $0x3200  }
0x3d: {  	[sflag:s23] =	ssyncset.done $0x0  }
0x3e: {  	s29 =	simm.s32 $0x340;
	[sflag:s23] =	ssyncadd.s32 $0xFFFFCE00  }
0x3f: {  	v1 =	vld [tilespmem:s29+$0xFFFFFFC0]  }
0x40: {  	v0 =	vld.idx.msk [tilespmem:v0+s13+$0x0], $0xffff;
	_ =	sdelay $0x4  }
0x41: {  	v1 =	vmul.f32 v1, v0  }
0x42: {  	s30 =	simm.s32 $0x6B40  }
0x43: {  	[tilespmem:s30+$0xFFFFFFC0] =	vst v1  }
0x44: {  	v1 =	vld [tilespmem:s29+$0xFFFFFFD0];
	_ =	sdelay $0x4  }
0x45: {  	v1 =	vmul.f32 v1, v0;
	_ =	sdelay $0x1  }
0x46: {  	[tilespmem:s30+$0xFFFFFFD0] =	vst v1  }
0x47: {  	v1 =	vld [tilespmem:s29+$0xFFFFFFE0];
	_ =	sdelay $0x4  }
0x48: {  	v1 =	vmul.f32 v1, v0;
	_ =	sdelay $0x1  }
0x49: {  	[tilespmem:s30+$0xFFFFFFE0] =	vst v1  }
0x4a: {  	v1 =	vld [tilespmem:s29+$0xFFFFFFF0];
	_ =	sdelay $0x4  }
0x4b: {  	v1 =	vmul.f32 v1, v0;
	_ =	sdelay $0x1  }
0x4c: {  	[tilespmem:s30+$0xFFFFFFF0] =	vst v1  }
0x4d: {  	v1 =	vld [tilespmem:s29+$0x0];
	_ =	sdelay $0x4  }
0x4e: {  	v1 =	vmul.f32 v1, v0;
	_ =	sdelay $0x1  }
0x4f: {  	[tilespmem:s30+$0x0] =	vst v1  }
0x50: {  	v1 =	vld [tilespmem:s29+$0x10];
	_ =	sdelay $0x4  }
0x51: {  	v1 =	vmul.f32 v1, v0;
	_ =	sdelay $0x1  }
0x52: {  	[tilespmem:s30+$0x10] =	vst v1  }
0x53: {  	v1 =	vld [tilespmem:s29+$0x20];
	_ =	sdelay $0x4  }
0x54: {  	v1 =	vmul.f32 v1, v0;
	_ =	sdelay $0x1  }
0x55: {  	[tilespmem:s30+$0x20] =	vst v1  }
0x56: {  	v2 =	vld [tilespmem:s29+$0x30];
	_ =	sdelay $0x1  }
0x57: {  	s15 =	simm.s32 $0x1  }
0x58: {  	s31 =	simm.s32 $0x2;
	v1 =	vmov s15  }
.LBB2_3:
0x59: {  	p1 =	sne.s32 s31, $0x63  }
0x5a: {  	v0 =	vmul.f32 v2, v0;
	_ =	sdelay $0x1  }
0x5b: {  	[tilespmem:s30+$0x30] =	vst v0  }
0x5c: {  	s29 =	sadd.s32 $0x80, s29;
	v0 =	vld.idx.msk [tilespmem:v1+s13+$0x0], $0xffff  }
0x5d: {  	v1 =	vld [tilespmem:s29+$0xFFFFFFC0];
	_ =	sdelay $0x4  }
0x5e: {  	v1 =	vmul.f32 v1, v0  }
0x5f: {  	s30 =	sadd.s32 $0x80, s30  }
0x60: {  	[tilespmem:s30+$0xFFFFFFC0] =	vst v1  }
0x61: {  	v1 =	vld [tilespmem:s29+$0xFFFFFFD0];
	_ =	sdelay $0x4  }
0x62: {  	v1 =	vmul.f32 v1, v0;
	_ =	sdelay $0x1  }
0x63: {  	[tilespmem:s30+$0xFFFFFFD0] =	vst v1  }
0x64: {  	v1 =	vld [tilespmem:s29+$0xFFFFFFE0];
	_ =	sdelay $0x4  }
0x65: {  	v1 =	vmul.f32 v1, v0;
	_ =	sdelay $0x1  }
0x66: {  	[tilespmem:s30+$0xFFFFFFE0] =	vst v1  }
0x67: {  	v1 =	vld [tilespmem:s29+$0xFFFFFFF0];
	_ =	sdelay $0x4  }
0x68: {  	v1 =	vmul.f32 v1, v0;
	_ =	sdelay $0x1  }
0x69: {  	[tilespmem:s30+$0xFFFFFFF0] =	vst v1  }
0x6a: {  	v1 =	vld [tilespmem:s29+$0x0];
	_ =	sdelay $0x4  }
0x6b: {  	v1 =	vmul.f32 v1, v0;
	_ =	sdelay $0x1  }
0x6c: {  	[tilespmem:s30+$0x0] =	vst v1  }
0x6d: {  	v1 =	vld [tilespmem:s29+$0x10];
	_ =	sdelay $0x4  }
0x6e: {  	v1 =	vmul.f32 v1, v0;
	_ =	sdelay $0x1  }
0x6f: {  	[tilespmem:s30+$0x10] =	vst v1  }
0x70: {  	v1 =	vld [tilespmem:s29+$0x20];
	_ =	sdelay $0x4  }
0x71: {  	v1 =	vmul.f32 v1, v0;
	_ =	sdelay $0x1  }
.Ltmp2:
0x72: {  	[tilespmem:s30+$0x20] =	vst v1;
	(pc) =	sbr.rel @p1 .LBB2_3-.Ltmp2, $2  }
0x73: {  	v2 =	vld [tilespmem:s29+$0x30];
	_ =	sdelay $0x2  }
0x74: {  	v1 =	vmov s31;
	s31 =	sadd.s32 $0x1, s31  }
0x75: {  	_ = 	snop  }
0x76: {  	v0 =	vmul.f32 v2, v0;
	_ =	sdelay $0x1  }
0x77: {  	[tilespmem:s30+$0x30] =	vst v0  }
0x78: {  	s1 =	sadd.s32 $0x80, s29;
	v0 =	vld.idx.msk [tilespmem:v1+s13+$0x0], $0xffff  }
0x79: {  	v1 =	vld [tilespmem:s1+$0xFFFFFFC0];
	_ =	sdelay $0x4  }
0x7a: {  	v1 =	vmul.f32 v1, v0  }
0x7b: {  	s29 =	sadd.s32 $0x80, s30  }
0x7c: {  	[tilespmem:s29+$0xFFFFFFC0] =	vst v1  }
0x7d: {  	v1 =	vld [tilespmem:s1+$0xFFFFFFD0];
	_ =	sdelay $0x4  }
0x7e: {  	v1 =	vmul.f32 v1, v0;
	_ =	sdelay $0x1  }
0x7f: {  	[tilespmem:s29+$0xFFFFFFD0] =	vst v1  }
0x80: {  	v1 =	vld [tilespmem:s1+$0xFFFFFFE0];
	_ =	sdelay $0x4  }
0x81: {  	v1 =	vmul.f32 v1, v0;
	_ =	sdelay $0x1  }
0x82: {  	[tilespmem:s29+$0xFFFFFFE0] =	vst v1  }
0x83: {  	v1 =	vld [tilespmem:s1+$0xFFFFFFF0];
	_ =	sdelay $0x4  }
0x84: {  	v1 =	vmul.f32 v1, v0;
	_ =	sdelay $0x1  }
0x85: {  	[tilespmem:s29+$0xFFFFFFF0] =	vst v1  }
0x86: {  	v1 =	vld [tilespmem:s1+$0x0];
	_ =	sdelay $0x4  }
0x87: {  	v1 =	vmul.f32 v1, v0;
	_ =	sdelay $0x1  }
0x88: {  	[tilespmem:s29+$0x0] =	vst v1  }
0x89: {  	v1 =	vld [tilespmem:s1+$0x10];
	_ =	sdelay $0x4  }
0x8a: {  	v1 =	vmul.f32 v1, v0;
	_ =	sdelay $0x1  }
0x8b: {  	[tilespmem:s29+$0x10] =	vst v1  }
0x8c: {  	v1 =	vld [tilespmem:s1+$0x20];
	_ =	sdelay $0x4  }
0x8d: {  	v1 =	vmul.f32 v1, v0;
	_ =	sdelay $0x1  }
0x8e: {  	[tilespmem:s29+$0x20] =	vst v1  }
0x8f: {  	v1 =	vld [tilespmem:s1+$0x30];
	_ =	sdelay $0x4  }
0x90: {  	v0 =	vmul.f32 v1, v0;
	_ =	sdelay $0x1  }
0x91: {  	[tilespmem:s29+$0x30] =	vst v0  }
0x92: {  	[spmem:s2] =	stream.indirect.scatter.add.f32 [tilespmem:s24], [sflag:$0x3], $0x80, s12, s14, $0xb8;
	[tilespmem:$0x1D780] =	vst v63  }
0x93: {  	p1 =	seq.s32 s28, $0x31;
	s29 =	sshll.u32 s28, $0x5;
	_ =	swait.ge [sflag:s11], $0x3200  }
0x94: {  	s1 =	sadd.s32 @!p1 $0x20, s29;
	[sflag:s11] =	ssyncset.done $0x0  }
0x95: {  	s31 =	simm.s32 @!p1 $0x0;
	s30 =	sadd.s32 @!p1 s5, s1;
	[sflag:s11] =	ssyncadd.s32 $0xFFFFCE00  }
0x96: {  	[tilespmem:s31], [sflag:$0x3] =	stream.linear.gather @!p1 [hbm4b:s30+s31], $0x80, $0x38;
	[tilespmem:$0x1D780] =	vst v63  }
0x97: {  	s30 =	simm.s32 @!p1 $0x3  }
0x98: {  	_ =	swait.ge @!p1 [sflag:s30], $0x80  }
0x99: {  	[sflag:s30] =	ssyncset.done @!p1 $0x0  }
0x9a: {  	s4 =	simm.s32 @!p1 $0x100;
	s15 =	sadd.s32 @!p1 s6, s1;
	[sflag:s30] =	ssyncadd.s32 @!p1 $0xFFFFFF80  }
0x9b: {  	[tilespmem:s4], [sflag:$0x3] =	stream.linear.gather @!p1 [hbm4b:s15+s31], $0x80, $0x38;
	[tilespmem:$0x1D780] =	vst v63  }
0x9c: {  	_ =	swait.ge @!p1 [sflag:s30], $0x80  }
0x9d: {  	[sflag:s30] =	ssyncset.done @!p1 $0x0  }
0x9e: {  	s1 =	sadd.s32 @!p1 s7, s1;
	s4 =	simm.s32 @!p1 $0x200;
	[sflag:s30] =	ssyncadd.s32 @!p1 $0xFFFFFF80  }
0x9f: {  	[tilespmem:s4], [sflag:$0x3] =	stream.linear.gather @!p1 [hbm4b:s1+s31], $0x80, $0x38;
	[tilespmem:$0x1D780] =	vst v63  }
0xa0: {  	_ =	swait.ge @!p1 [sflag:s30], $0x80  }
0xa1: {  	s1 =	simm.s32 $0x0;
	[sflag:s30] =	ssyncset.done @!p1 $0x0  }
0xa2: {  	s15 =	simm.s32 @!p1 $0x300;
	s4 =	simm.s32 @!p1 $0x64;
	v0 =	vmov s1;
	[sflag:s30] =	ssyncadd.s32 @!p1 $0xFFFFFF80  }
0xa3: {  	[tilespmem:s15], [sflag:$0x1] =	stream.indirect.gather @!p1 [hbm4b:s0+s4], $0x80, s31, s4, $0xb8;
	[tilespmem:$0x1D780] =	vst v63  }
0xa4: {  	_ =	swait.ge [sflag:s25], $0x3200  }
0xa5: {  	[sflag:s25] =	ssyncset.done $0x0  }
0xa6: {  	[sflag:s25] =	ssyncadd.s32 $0xFFFFCE00  }
0xa7: {  	s30 =	simm.s32 $0x3740;
	v0 =	vld.idx.msk [tilespmem:v0+s21+$0x0], $0xffff  }
0xa8: {  	v1 =	vld [tilespmem:s30+$0xFFFFFFC0];
	_ =	sdelay $0x4  }
0xa9: {  	v1 =	vmul.f32 v1, v0  }
0xaa: {  	s31 =	simm.s32 $0x6B40  }
0xab: {  	[tilespmem:s31+$0xFFFFFFC0] =	vst v1  }
0xac: {  	v1 =	vld [tilespmem:s30+$0xFFFFFFD0];
	_ =	sdelay $0x4  }
0xad: {  	v1 =	vmul.f32 v1, v0;
	_ =	sdelay $0x1  }
0xae: {  	[tilespmem:s31+$0xFFFFFFD0] =	vst v1  }
0xaf: {  	v1 =	vld [tilespmem:s30+$0xFFFFFFE0];
	_ =	sdelay $0x4  }
0xb0: {  	v1 =	vmul.f32 v1, v0;
	_ =	sdelay $0x1  }
0xb1: {  	[tilespmem:s31+$0xFFFFFFE0] =	vst v1  }
0xb2: {  	v1 =	vld [tilespmem:s30+$0xFFFFFFF0];
	_ =	sdelay $0x4  }
0xb3: {  	v1 =	vmul.f32 v1, v0;
	_ =	sdelay $0x1  }
0xb4: {  	[tilespmem:s31+$0xFFFFFFF0] =	vst v1  }
0xb5: {  	v1 =	vld [tilespmem:s30+$0x0];
	_ =	sdelay $0x4  }
0xb6: {  	v1 =	vmul.f32 v1, v0;
	_ =	sdelay $0x1  }
0xb7: {  	[tilespmem:s31+$0x0] =	vst v1  }
0xb8: {  	v1 =	vld [tilespmem:s30+$0x10];
	_ =	sdelay $0x4  }
0xb9: {  	v1 =	vmul.f32 v1, v0;
	_ =	sdelay $0x1  }
0xba: {  	[tilespmem:s31+$0x10] =	vst v1  }
0xbb: {  	v1 =	vld [tilespmem:s30+$0x20];
	_ =	sdelay $0x4  }
0xbc: {  	v1 =	vmul.f32 v1, v0;
	_ =	sdelay $0x1  }
0xbd: {  	[tilespmem:s31+$0x20] =	vst v1  }
0xbe: {  	v2 =	vld [tilespmem:s30+$0x30];
	_ =	sdelay $0x1  }
0xbf: {  	s15 =	simm.s32 $0x1  }
0xc0: {  	s1 =	simm.s32 $0x2;
	v1 =	vmov s15  }
.LBB2_5:
0xc1: {  	p2 =	sne.s32 s1, $0x63  }
0xc2: {  	v0 =	vmul.f32 v2, v0;
	_ =	sdelay $0x1  }
0xc3: {  	[tilespmem:s31+$0x30] =	vst v0  }
0xc4: {  	s30 =	sadd.s32 $0x80, s30;
	v0 =	vld.idx.msk [tilespmem:v1+s21+$0x0], $0xffff  }
0xc5: {  	v1 =	vld [tilespmem:s30+$0xFFFFFFC0];
	_ =	sdelay $0x4  }
0xc6: {  	v1 =	vmul.f32 v1, v0  }
0xc7: {  	s31 =	sadd.s32 $0x80, s31  }
0xc8: {  	[tilespmem:s31+$0xFFFFFFC0] =	vst v1  }
0xc9: {  	v1 =	vld [tilespmem:s30+$0xFFFFFFD0];
	_ =	sdelay $0x4  }
0xca: {  	v1 =	vmul.f32 v1, v0;
	_ =	sdelay $0x1  }
0xcb: {  	[tilespmem:s31+$0xFFFFFFD0] =	vst v1  }
0xcc: {  	v1 =	vld [tilespmem:s30+$0xFFFFFFE0];
	_ =	sdelay $0x4  }
0xcd: {  	v1 =	vmul.f32 v1, v0;
	_ =	sdelay $0x1  }
0xce: {  	[tilespmem:s31+$0xFFFFFFE0] =	vst v1  }
0xcf: {  	v1 =	vld [tilespmem:s30+$0xFFFFFFF0];
	_ =	sdelay $0x4  }
0xd0: {  	v1 =	vmul.f32 v1, v0;
	_ =	sdelay $0x1  }
0xd1: {  	[tilespmem:s31+$0xFFFFFFF0] =	vst v1  }
0xd2: {  	v1 =	vld [tilespmem:s30+$0x0];
	_ =	sdelay $0x4  }
0xd3: {  	v1 =	vmul.f32 v1, v0;
	_ =	sdelay $0x1  }
0xd4: {  	[tilespmem:s31+$0x0] =	vst v1  }
0xd5: {  	v1 =	vld [tilespmem:s30+$0x10];
	_ =	sdelay $0x4  }
0xd6: {  	v1 =	vmul.f32 v1, v0;
	_ =	sdelay $0x1  }
0xd7: {  	[tilespmem:s31+$0x10] =	vst v1  }
0xd8: {  	v1 =	vld [tilespmem:s30+$0x20];
	_ =	sdelay $0x4  }
0xd9: {  	v1 =	vmul.f32 v1, v0;
	_ =	sdelay $0x1  }
.Ltmp3:
0xda: {  	[tilespmem:s31+$0x20] =	vst v1;
	(pc) =	sbr.rel @p2 .LBB2_5-.Ltmp3, $2  }
0xdb: {  	v2 =	vld [tilespmem:s30+$0x30];
	_ =	sdelay $0x2  }
0xdc: {  	v1 =	vmov s1;
	s1 =	sadd.s32 $0x1, s1  }
0xdd: {  	_ = 	snop  }
0xde: {  	v0 =	vmul.f32 v2, v0;
	_ =	sdelay $0x1  }
0xdf: {  	[tilespmem:s31+$0x30] =	vst v0  }
0xe0: {  	s1 =	sadd.s32 $0x80, s30;
	v0 =	vld.idx.msk [tilespmem:v1+s21+$0x0], $0xffff  }
0xe1: {  	v63 =	vld [tilespmem:s1+$0xFFFFFFC0];
	_ =	sdelay $0x4  }
0xe2: {  	v1 =	vmul.f32 v63, v0  }
0xe3: {  	s4 =	sadd.s32 $0x80, s31  }
0xe4: {  	[tilespmem:s4+$0xFFFFFFC0] =	vst v1  }
0xe5: {  	v1 =	vld [tilespmem:s1+$0xFFFFFFD0];
	_ =	sdelay $0x4  }
0xe6: {  	v1 =	vmul.f32 v1, v0;
	_ =	sdelay $0x1  }
0xe7: {  	[tilespmem:s4+$0xFFFFFFD0] =	vst v1  }
0xe8: {  	v1 =	vld [tilespmem:s1+$0xFFFFFFE0];
	_ =	sdelay $0x4  }
0xe9: {  	v1 =	vmul.f32 v1, v0;
	_ =	sdelay $0x1  }
0xea: {  	[tilespmem:s4+$0xFFFFFFE0] =	vst v1  }
0xeb: {  	v1 =	vld [tilespmem:s1+$0xFFFFFFF0];
	_ =	sdelay $0x4  }
0xec: {  	v1 =	vmul.f32 v1, v0;
	_ =	sdelay $0x1  }
0xed: {  	[tilespmem:s4+$0xFFFFFFF0] =	vst v1  }
0xee: {  	v1 =	vld [tilespmem:s1+$0x0];
	_ =	sdelay $0x4  }
0xef: {  	v1 =	vmul.f32 v1, v0;
	_ =	sdelay $0x1  }
0xf0: {  	[tilespmem:s4+$0x0] =	vst v1  }
0xf1: {  	v1 =	vld [tilespmem:s1+$0x10];
	_ =	sdelay $0x4  }
0xf2: {  	v1 =	vmul.f32 v1, v0;
	_ =	sdelay $0x1  }
0xf3: {  	[tilespmem:s4+$0x10] =	vst v1  }
0xf4: {  	v1 =	vld [tilespmem:s1+$0x20];
	_ =	sdelay $0x4  }
0xf5: {  	v1 =	vmul.f32 v1, v0;
	_ =	sdelay $0x1  }
0xf6: {  	[tilespmem:s4+$0x20] =	vst v1  }
0xf7: {  	v1 =	vld [tilespmem:s1+$0x30];
	_ =	sdelay $0x4  }
0xf8: {  	v0 =	vmul.f32 v1, v0;
	_ =	sdelay $0x1  }
.Ltmp4:
0xf9: {  	[tilespmem:s4+$0x30] =	vst v0;
	(pc) =	sbr.rel @p1 .LBB2_8-.Ltmp4, $4  }
0xfa: {  	[spmem:s2] =	stream.indirect.scatter.add.f32 [tilespmem:s24], [sflag:$0x3], $0x80, s19, s14, $0xb8;
	[tilespmem:$0x1D780] =	vst v63  }
0xfb: {  	_ =	swait.ge [sflag:s11], $0x3200  }
0xfc: {  	[sflag:s11] =	ssyncset.done $0x0  }
0xfd: {  	[sflag:s11] =	ssyncadd.s32 $0xFFFFCE00  }
0xfe: {  	s1 =	sadd.s32 $0x30, s29  }
0xff: {  	s4 =	sadd.s32 s5, s1  }
0x100: {  	[tilespmem:s17], [sflag:$0x3] =	stream.linear.gather [hbm4b:s4+s3], $0x80, $0x38;
	[tilespmem:$0x1D780] =	vst v63  }
0x101: {  	_ =	swait.ge [sflag:s11], $0x80  }
0x102: {  	[sflag:s11] =	ssyncset.done $0x0  }
0x103: {  	s31 =	sadd.s32 s6, s1;
	[sflag:s11] =	ssyncadd.s32 $0xFFFFFF80  }
0x104: {  	[tilespmem:s19], [sflag:$0x3] =	stream.linear.gather [hbm4b:s31+s3], $0x80, $0x38;
	[tilespmem:$0x1D780] =	vst v63  }
0x105: {  	_ =	swait.ge [sflag:s11], $0x80  }
0x106: {  	[sflag:s11] =	ssyncset.done $0x0  }
0x107: {  	s1 =	sadd.s32 s7, s1;
	[sflag:s11] =	ssyncadd.s32 $0xFFFFFF80  }
0x108: {  	[tilespmem:s21], [sflag:$0x3] =	stream.linear.gather [hbm4b:s1+s3], $0x80, $0x38;
	[tilespmem:$0x1D780] =	vst v63  }
.Ltmp5:
0x109: {  	_ = 	snop;
	(pc) =	sbr.rel .LBB2_2-.Ltmp5, $4  }
0x10a: {  	_ =	swait.ge [sflag:s11], $0x80  }
0x10b: {  	[sflag:s11] =	ssyncset.done $0x0  }
0x10c: {  	s28 =	sadd.s32 $0x1, s28;
	[sflag:s11] =	ssyncadd.s32 $0xFFFFFF80  }
0x10d: {  	[tilespmem:s22], [sflag:$0x2] =	stream.indirect.gather [hbm4b:s0+s14], $0x80, s17, s14, $0xb8;
	[tilespmem:$0x1D780] =	vst v63  }
.LBB2_9:
0x10e: {  	_ =	sfence.sel $0x180000  }
0x10f: {  	[bflag:$0x0] =	sbarrier.arrive $0xFFFF  }
0x110: {  	_ =	strace $0x9000004A  }
0x111: {  	[bflag:$0x2] =	sbarrier.arrive $0xFFFF  }
0x112: {  	s0 =	rddreg [dreg:$0x3]  }
0x113: {  	s0 =	sadd.s32 @!p0 $0x100000, s0  }
0x114: {  	[sflag:s0] =	ssyncadd.tile.s32 @!p0 $0x1;
	_ =	shalt  }
.Lfunc_end2:
_tile_overlayer_lowered:
.L_overlay_start_2:
0x115: {  	(tag) =	ssettag $0x2  }
0x116: {  	s0 =	rddreg [dreg:$0x0];
	s2 =	stileid.u32  }
0x117: {  	s1 =	rddreg [dreg:$0x1];
	p0 =	sne.s32 s2, $0x0  }
0x118: {  	s3 =	rddreg [dreg:$0x2];
	[bflag:$0x3] =	sbarrier.arrive $0xFFFF;
	s2 =	simm.s32 @!p0 $0x1C03  }
0x119: {  	[timem:s3], [sflag:s2] =	dma.local @!p0 [hbm:s0], s1  }
0x11a: {  	s0 =	simm.s32 @!p0 $0x3  }
0x11b: {  	_ =	swait.ge @!p0 [sflag:s0], s1  }
0x11c: {  	s1 =	ssub.s32 @!p0 $0x0, s1;
	[sflag:s0] =	ssyncset.done @!p0 $0x0  }
0x11d: {  	[sflag:s0] =	ssyncadd.s32 @!p0 s1  }
0x11e: {  	[bflag:$0x3] =	sbarrier.arrive $0xFFFF  }
0x11f: {  	_ =	shalt  }

</sc_bundles>
